<compile_context>
chip_gen: v7x
topology: tpu7x:2x2x1
jax: 0.10.2.dev20260603
libtpu: 0.0.44.dev20260713+nightly
codegen_flags: <defaults>
</compile_context>

<pallas_src>
import jax
import jax.numpy as jnp
from jax import lax
from jax.experimental import pallas as pl
from jax.experimental.pallas import tpu as pltpu
from jax.experimental.pallas import tpu_sc as plsc

B = 8
V = 16
NIN = 4
NTGT = 8
POSE_W = 16
HH = 128
CPC = 256 // HH
NCH = 3 * CPC
NBUF = 3

_mesh = plsc.VectorSubcoreMesh(core_axis_name="c", subcore_axis_name="s")


def _sc_split(image, idxflat):

    def body(img_ref, idx_hbm, tgt_img, idx_v, *ring):
        bufs = ring[:NBUF]
        sem = ring[NBUF]
        isems = ring[NBUF + 1:2 * NBUF + 1]
        osems = ring[2 * NBUF + 1:]

        cid = lax.axis_index("c")
        sid = lax.axis_index("s")
        w = sid * 2 + cid

        pltpu.sync_copy(idx_hbm, idx_v.at[pl.ds(0, B * NTGT)])

        e0 = 2 * w
        vec = idx_v[pl.ds(e0, 16)]
        v0 = vec[0]
        v1 = vec[1]
        b0 = e0 // NTGT
        b1 = (e0 + 1) // NTGT
        t0 = e0 % NTGT
        t1 = (e0 + 1) % NTGT

        tasks = []
        for src_b, src_v, dst_ref, dst_b, dst_v in (
                (b0, v0, tgt_img, b0, t0),
                (b1, v1, tgt_img, b1, t1)):
            for c in range(NCH):
                ci, h0 = c // CPC, (c % CPC) * HH
                tasks.append((src_b, src_v, dst_ref, dst_b, dst_v, ci, h0))
        n = len(tasks)

        in_h = [None] * NBUF
        out_h = [None] * NBUF
        for i in range(-(NBUF - 1), n):
            j = i + NBUF - 1
            if j < n:
                k2 = j % NBUF
                if j >= NBUF:
                    out_h[k2].wait()
                sb, sv, _, _, _, ci, h0 = tasks[j]
                in_h[k2] = pltpu.async_copy(
                    img_ref.at[sb, sv, ci, pl.ds(h0, HH)], bufs[k2], isems[k2])
            if i >= 0:
                k = i % NBUF
                in_h[k].wait()
                _, _, dst_ref, db, dv, ci, h0 = tasks[i]
                out_h[k] = pltpu.async_copy(
                    bufs[k], dst_ref.at[db, dv, ci, pl.ds(h0, HH)], osems[k])
        for k in range(NBUF):
            out_h[k].wait()

    f = pl.kernel(
        body,
        out_type=[
            jax.ShapeDtypeStruct((B, NTGT, 3, 256, 256), jnp.float32),
        ],
        mesh=_mesh,
        compiler_params=pltpu.CompilerParams(use_tc_tiling_on_sc=True),
        scratch_types=[
            pltpu.VMEM((B * NTGT + 16,), jnp.int32),
            *[pltpu.VMEM((HH, 256), jnp.float32) for _ in range(NBUF)],
            *[pltpu.SemaphoreType.DMA for _ in range(2 * NBUF + 1)],
        ],
    )
    return f(image, idxflat)


def _tc_slice(image, pose, idxflat):

    def body(idx_s, img_blk, pose_blk, out_blk, in_pose_blk, tgt_pose_blk):
        out_blk[...] = img_blk[...]

        @pl.when(pl.program_id(0) == 0)
        def _():
            in_pose_blk[...] = pose_blk[:, :NIN]
            for b in range(B):
                for t in range(NTGT):
                    v = idx_s[b * NTGT + t]
                    tgt_pose_blk[b, t] = pose_blk[b, v]

    return pl.pallas_call(
        body,
        grid=(B * NIN,),
        in_specs=[
            pl.BlockSpec(memory_space=pltpu.SMEM),
            pl.BlockSpec(
                (1, 1, 3, 256, 256), lambda i: (i // NIN, i % NIN, 0, 0, 0)),
            pl.BlockSpec((B, V, 4, 4), lambda i: (0, 0, 0, 0)),
        ],
        out_specs=[
            pl.BlockSpec(
                (1, 1, 3, 256, 256), lambda i: (i // NIN, i % NIN, 0, 0, 0)),
            pl.BlockSpec((B, NIN, 4, 4), lambda i: (0, 0, 0, 0)),
            pl.BlockSpec((B, NTGT, 4, 4), lambda i: (0, 0, 0, 0)),
        ],
        out_shape=[
            jax.ShapeDtypeStruct((B, NIN, 3, 256, 256), jnp.float32),
            jax.ShapeDtypeStruct((B, NIN, 4, 4), jnp.float32),
            jax.ShapeDtypeStruct((B, NTGT, 4, 4), jnp.float32),
        ],
    )(idxflat, image, pose)


def kernel(image, pose, index):
    idxflat = index.reshape(B * NTGT).astype(jnp.int32)
    in_img, in_pose, tgt_pose = _tc_slice(image, pose, idxflat)
    (tgt_img,) = _sc_split(image, idxflat)
    return (in_img, in_pose, tgt_img, tgt_pose)

# --- scband reference (transcript-rebuilt; emitter-appended) ---
"""Pipeline reference for scband-split-data-2396591751289 (READ-ONLY COPY).

The authoritative reference and input builder live on the scoring server;
editing this copy changes nothing except your own understanding.
"""

import jax, jax.numpy as jnp
import numpy as np

NUM_INPUT_VIEWS = 4
NUM_TARGET_VIEWS = 8
B, V = 8, 16


def setup_inputs(seed: int = 0) -> dict:
    key = jax.random.key(seed)
    k1, k2, k3 = jax.random.split(key, 3)
    image = jax.random.normal(k1, (B, V, 3, 256, 256), dtype=jnp.float32)
    pose = jax.random.normal(k2, (B, V, 4, 4), dtype=jnp.float32)
    # Faithful to random.sample(range(v), num_target_views) per batch row:
    # sample NUM_TARGET_VIEWS indices WITHOUT replacement via argsort of uniforms.
    index = jnp.argsort(jax.random.uniform(k3, (B, V)), axis=1)[:, :NUM_TARGET_VIEWS].astype(jnp.int64)
    return {"image": image, "pose": pose, "index": index}


def _gather_target(value, index):
    # value: [B, V, ...]; index: [B, T]
    dummy = (1,) * (value.ndim - 2)
    idx = index.reshape(index.shape[0], index.shape[1], *dummy)
    idx = jnp.broadcast_to(idx, (index.shape[0], index.shape[1]) + value.shape[2:])
    return jnp.take_along_axis(value, idx, axis=1)


def reference(image, pose, index):
    # input views: leading slice along view dim
    input_image = image[:, :NUM_INPUT_VIEWS]
    input_pose = pose[:, :NUM_INPUT_VIEWS]
    # target views: gather along view dim (num_target_views < V branch)
    target_image = _gather_target(image, index)
    target_pose = _gather_target(pose, index)
    return (input_image, input_pose, target_image, target_pose)

if __name__ == "__main__":
    import jax
    _d = setup_inputs()
    print(jax.jit(kernel)(*tuple(_d.values())))

</pallas_src>

<mosaic_0001>
#map = affine_map<(d0, d1) -> (0, 0, 0, 0, 0)>
#map1 = affine_map<(d0, d1) -> (0)>
module attributes {stable_mosaic.version = 14 : i64} {
  func.func @body(%arg0: i32, %arg1: i32, %arg2: memref<8x16x3x256x256xf32, #tpu.memory_space<hbm>>, %arg3: memref<64xi32, #tpu.memory_space<hbm>>, %arg4: memref<8x8x3x256x256xf32, #tpu.memory_space<hbm>>, %arg5: memref<80xi32, #tpu.memory_space<vmem>>, %arg6: memref<128x256xf32, #tpu.memory_space<vmem>>, %arg7: memref<128x256xf32, #tpu.memory_space<vmem>>, %arg8: memref<128x256xf32, #tpu.memory_space<vmem>>, %arg9: memref<!tpu.dma_semaphore, #tpu.memory_space<semaphore_mem>>, %arg10: memref<!tpu.dma_semaphore, #tpu.memory_space<semaphore_mem>>, %arg11: memref<!tpu.dma_semaphore, #tpu.memory_space<semaphore_mem>>, %arg12: memref<!tpu.dma_semaphore, #tpu.memory_space<semaphore_mem>>, %arg13: memref<!tpu.dma_semaphore, #tpu.memory_space<semaphore_mem>>, %arg14: memref<!tpu.dma_semaphore, #tpu.memory_space<semaphore_mem>>, %arg15: memref<!tpu.dma_semaphore, #tpu.memory_space<semaphore_mem>>) attributes {dimension_semantics = [#tpu.dimension_semantics<core_parallel>, #tpu.dimension_semantics<subcore_parallel>], iteration_bounds = array<i64: 2, 16>, scalar_prefetch = 0 : i64, scratch_operands = 11 : i64, tpu.core_type = #tpu.core_type<sc_vector_subcore>, window_params = [{transform_indices = #map}, {transform_indices = #map1}, {transform_indices = #map}]} {
    %mul3A = arith.constant 2 : i32
    %mul3A_0 = arith.muli %arg1, %mul3A : i32
    %add3A = arith.addi %mul3A_0, %arg0 : i32
    "tpu.region"() ({
      %run_scoped3A = tpu.sem_alloc : memref<!tpu.dma_semaphore, #tpu.memory_space<semaphore_mem>>
      %dma_start3A_511 = arith.constant 0 : i32
      %dma_start3A_512 = tpu.memref_slice %arg5[%dma_start3A_511] : memref<80xi32, #tpu.memory_space<vmem>> -> memref<64xi32, #tpu.memory_space<vmem>>
      %dma_start3A_513 = arith.constant 0 : i32
      %dma_start3A_514 = tpu.memref_slice %arg5[%dma_start3A_513] : memref<80xi32, #tpu.memory_space<vmem>> -> memref<64xi32, #tpu.memory_space<vmem>>
      tpu.enqueue_dma source(%arg3 : memref<64xi32, #tpu.memory_space<hbm>>) target(%dma_start3A_514 : memref<64xi32, #tpu.memory_space<vmem>>) target_semaphore(%run_scoped3A : memref<!tpu.dma_semaphore, #tpu.memory_space<semaphore_mem>>)
      %dma_wait3A_515 = arith.constant 0 : i32
      %dma_wait3A_516 = tpu.memref_slice %arg5[%dma_wait3A_515] : memref<80xi32, #tpu.memory_space<vmem>> -> memref<64xi32, #tpu.memory_space<vmem>>
      %dma_wait3A_517 = arith.constant 0 : i32
      %dma_wait3A_518 = tpu.memref_slice %arg5[%dma_wait3A_517] : memref<80xi32, #tpu.memory_space<vmem>> -> memref<64xi32, #tpu.memory_space<vmem>>
      tpu.wait_dma2 semaphore(%run_scoped3A : memref<!tpu.dma_semaphore, #tpu.memory_space<semaphore_mem>>) src(%arg3 : memref<64xi32, #tpu.memory_space<hbm>>) dst(%dma_wait3A_518 : memref<64xi32, #tpu.memory_space<vmem>>)
      tpu.yield
    }) : () -> ()
    %mul3A_1 = arith.constant 2 : i32
    %mul3A_2 = arith.muli %mul3A_1, %add3A : i32
    %get3A = arith.index_cast %mul3A_2 : i32 to index
    %get3A_3 = tpu.vector_load %arg5[%get3A] {strides = array<i32>} : memref<80xi32, #tpu.memory_space<vmem>>, vector<16xi32>,
    %get3A_4 = vector.shape_cast %get3A_3 : vector<16xi32> to vector<16xi32>
    %slice3A = vector.extract_strided_slice %get3A_4 {offsets = [0], sizes = [1], strides = [1]} : vector<16xi32> to vector<1xi32>
    %squeeze3A = vector.extract %slice3A[0] : i32 from vector<1xi32>
    %slice3A_5 = vector.extract_strided_slice %get3A_4 {offsets = [1], sizes = [1], strides = [1]} : vector<16xi32> to vector<1xi32>
    %squeeze3A_6 = vector.extract %slice3A_5[0] : i32 from vector<1xi32>
    %jit3A = arith.constant 8 : i32
    %div3A = arith.divsi %mul3A_2, %jit3A : i32
    %sign3A = arith.constant 0 : i32
    %sign3A_7 = arith.cmpi sgt, %mul3A_2, %sign3A : i32
    %sign3A_8 = arith.extui %sign3A_7 : i1 to i32
    %sign3A_9 = arith.constant 0 : i32
    %sign3A_10 = arith.cmpi slt, %mul3A_2, %sign3A_9 : i32
    %sign3A_11 = arith.extui %sign3A_10 : i1 to i32
    %sign3A_12 = arith.subi %sign3A_8, %sign3A_11 : i32
    %sign3A_13 = arith.constant 0 : i32
    %sign3A_14 = arith.cmpi sgt, %jit3A, %sign3A_13 : i32
    %sign3A_15 = arith.extui %sign3A_14 : i1 to i32
    %sign3A_16 = arith.constant 0 : i32
    %sign3A_17 = arith.cmpi slt, %jit3A, %sign3A_16 : i32
    %sign3A_18 = arith.extui %sign3A_17 : i1 to i32
    %sign3A_19 = arith.subi %sign3A_15, %sign3A_18 : i32
    %ne3A = arith.cmpi ne, %sign3A_12, %sign3A_19 : i32
    %rem3A = arith.remsi %mul3A_2, %jit3A : i32
    %ne3A_20 = arith.constant 0 : i32
    %ne3A_21 = arith.cmpi ne, %rem3A, %ne3A_20 : i32
    %and3A = arith.andi %ne3A, %ne3A_21 : i1
    %sub3A = arith.constant 1 : i32
    %sub3A_22 = arith.subi %div3A, %sub3A : i32
    %select_n3A = arith.select %and3A, %sub3A_22, %div3A : i32
    %add3A_23 = arith.constant 1 : i32
    %add3A_24 = arith.addi %mul3A_2, %add3A_23 : i32
    %jit3A_25 = arith.constant 8 : i32
    %div3A_26 = arith.divsi %add3A_24, %jit3A_25 : i32
    %sign3A_27 = arith.constant 0 : i32
    %sign3A_28 = arith.cmpi sgt, %add3A_24, %sign3A_27 : i32
    %sign3A_29 = arith.extui %sign3A_28 : i1 to i32
    %sign3A_30 = arith.constant 0 : i32
    %sign3A_31 = arith.cmpi slt, %add3A_24, %sign3A_30 : i32
    %sign3A_32 = arith.extui %sign3A_31 : i1 to i32
    %sign3A_33 = arith.subi %sign3A_29, %sign3A_32 : i32
    %sign3A_34 = arith.constant 0 : i32
    %sign3A_35 = arith.cmpi sgt, %jit3A_25, %sign3A_34 : i32
    %sign3A_36 = arith.extui %sign3A_35 : i1 to i32
    %sign3A_37 = arith.constant 0 : i32
    %sign3A_38 = arith.cmpi slt, %jit3A_25, %sign3A_37 : i32
    %sign3A_39 = arith.extui %sign3A_38 : i1 to i32
    %sign3A_40 = arith.subi %sign3A_36, %sign3A_39 : i32
    %ne3A_41 = arith.cmpi ne, %sign3A_33, %sign3A_40 : i32
    %rem3A_42 = arith.remsi %add3A_24, %jit3A_25 : i32
    %ne3A_43 = arith.constant 0 : i32
    %ne3A_44 = arith.cmpi ne, %rem3A_42, %ne3A_43 : i32
    %and3A_45 = arith.andi %ne3A_41, %ne3A_44 : i1
    %sub3A_46 = arith.constant 1 : i32
    %sub3A_47 = arith.subi %div3A_26, %sub3A_46 : i32
    %select_n3A_48 = arith.select %and3A_45, %sub3A_47, %div3A_26 : i32
    %jit3A_49 = arith.constant 8 : i32
    %eq3A = arith.constant 0 : i32
    %eq3A_50 = arith.cmpi eq, %jit3A_49, %eq3A : i32
    %jit3A_51 = arith.constant 1 : i32
    %select_n3A_52 = arith.select %eq3A_50, %jit3A_51, %jit3A_49 : i32
    %rem3A_53 = arith.remsi %mul3A_2, %select_n3A_52 : i32
    %ne3A_54 = arith.constant 0 : i32
    %ne3A_55 = arith.cmpi ne, %rem3A_53, %ne3A_54 : i32
    %lt3A = arith.constant 0 : i32
    %lt3A_56 = arith.cmpi slt, %rem3A_53, %lt3A : i32
    %lt3A_57 = arith.constant 0 : i32
    %lt3A_58 = arith.cmpi slt, %select_n3A_52, %lt3A_57 : i32
    %ne3A_59 = arith.xori %lt3A_56, %lt3A_58 : i1
    %and3A_60 = arith.andi %ne3A_59, %ne3A_55 : i1
    %add3A_61 = arith.addi %rem3A_53, %select_n3A_52 : i32
    %select_n3A_62 = arith.select %and3A_60, %add3A_61, %rem3A_53 : i32
    %add3A_63 = arith.constant 1 : i32
    %add3A_64 = arith.addi %mul3A_2, %add3A_63 : i32
    %jit3A_65 = arith.constant 8 : i32
    %eq3A_66 = arith.constant 0 : i32
    %eq3A_67 = arith.cmpi eq, %jit3A_65, %eq3A_66 : i32
    %jit3A_68 = arith.constant 1 : i32
    %select_n3A_69 = arith.select %eq3A_67, %jit3A_68, %jit3A_65 : i32
    %rem3A_70 = arith.remsi %add3A_64, %select_n3A_69 : i32
    %ne3A_71 = arith.constant 0 : i32
    %ne3A_72 = arith.cmpi ne, %rem3A_70, %ne3A_71 : i32
    %lt3A_73 = arith.constant 0 : i32
    %lt3A_74 = arith.cmpi slt, %rem3A_70, %lt3A_73 : i32
    %lt3A_75 = arith.constant 0 : i32
    %lt3A_76 = arith.cmpi slt, %select_n3A_69, %lt3A_75 : i32
    %ne3A_77 = arith.xori %lt3A_74, %lt3A_76 : i1
    %and3A_78 = arith.andi %ne3A_77, %ne3A_72 : i1
    %add3A_79 = arith.addi %rem3A_70, %select_n3A_69 : i32
    %select_n3A_80 = arith.select %and3A_78, %add3A_79, %rem3A_70 : i32
    %dma_start3A = arith.constant 0 : i32
    %dma_start3A_81 = arith.constant 0 : i32
    %dma_start3A_82 = arith.constant 0 : i32
    %dma_start3A_83 = tpu.memref_slice %arg2[%select_n3A, %squeeze3A, %dma_start3A, %dma_start3A_81, %dma_start3A_82] : memref<8x16x3x256x256xf32, #tpu.memory_space<hbm>> -> memref<1x1x1x128x256xf32, #tpu.memory_space<hbm>>
    %dma_start3A_84 = tpu.memref_squeeze %dma_start3A_83 : memref<1x1x1x128x256xf32, #tpu.memory_space<hbm>> -> memref<128x256xf32, #tpu.memory_space<hbm>>
    %dma_start3A_85 = arith.constant 0 : i32
    %dma_start3A_86 = arith.constant 0 : i32
    %dma_start3A_87 = tpu.memref_slice %arg2[%select_n3A, %squeeze3A, %dma_start3A, %dma_start3A_85, %dma_start3A_86] : memref<8x16x3x256x256xf32, #tpu.memory_space<hbm>> -> memref<1x1x1x128x256xf32, #tpu.memory_space<hbm>>
    %dma_start3A_88 = tpu.memref_squeeze %dma_start3A_87 : memref<1x1x1x128x256xf32, #tpu.memory_space<hbm>> -> memref<128x256xf32, #tpu.memory_space<hbm>>
    tpu.enqueue_dma source(%dma_start3A_88 : memref<128x256xf32, #tpu.memory_space<hbm>>) target(%arg6 : memref<128x256xf32, #tpu.memory_space<vmem>>) target_semaphore(%arg10 : memref<!tpu.dma_semaphore, #tpu.memory_space<semaphore_mem>>)
    %dma_start3A_89 = arith.constant 0 : i32
    %dma_start3A_90 = arith.constant 128 : i32
    %dma_start3A_91 = arith.constant 0 : i32
    %dma_start3A_92 = tpu.memref_slice %arg2[%select_n3A, %squeeze3A, %dma_start3A_89, %dma_start3A_90, %dma_start3A_91] : memref<8x16x3x256x256xf32, #tpu.memory_space<hbm>> -> memref<1x1x1x128x256xf32, #tpu.memory_space<hbm>>
    %dma_start3A_93 = tpu.memref_squeeze %dma_start3A_92 : memref<1x1x1x128x256xf32, #tpu.memory_space<hbm>> -> memref<128x256xf32, #tpu.memory_space<hbm>>
    %dma_start3A_94 = arith.constant 128 : i32
    %dma_start3A_95 = arith.constant 0 : i32
    %dma_start3A_96 = tpu.memref_slice %arg2[%select_n3A, %squeeze3A, %dma_start3A_89, %dma_start3A_94, %dma_start3A_95] : memref<8x16x3x256x256xf32, #tpu.memory_space<hbm>> -> memref<1x1x1x128x256xf32, #tpu.memory_space<hbm>>
    %dma_start3A_97 = tpu.memref_squeeze %dma_start3A_96 : memref<1x1x1x128x256xf32, #tpu.memory_space<hbm>> -> memref<128x256xf32, #tpu.memory_space<hbm>>
    tpu.enqueue_dma source(%dma_start3A_97 : memref<128x256xf32, #tpu.memory_space<hbm>>) target(%arg7 : memref<128x256xf32, #tpu.memory_space<vmem>>) target_semaphore(%arg11 : memref<!tpu.dma_semaphore, #tpu.memory_space<semaphore_mem>>)
    %dma_start3A_98 = arith.constant 1 : i32
    %dma_start3A_99 = arith.constant 0 : i32
    %dma_start3A_100 = arith.constant 0 : i32
    %dma_start3A_101 = tpu.memref_slice %arg2[%select_n3A, %squeeze3A, %dma_start3A_98, %dma_start3A_99, %dma_start3A_100] : memref<8x16x3x256x256xf32, #tpu.memory_space<hbm>> -> memref<1x1x1x128x256xf32, #tpu.memory_space<hbm>>
    %dma_start3A_102 = tpu.memref_squeeze %dma_start3A_101 : memref<1x1x1x128x256xf32, #tpu.memory_space<hbm>> -> memref<128x256xf32, #tpu.memory_space<hbm>>
    %dma_start3A_103 = arith.constant 0 : i32
    %dma_start3A_104 = arith.constant 0 : i32
    %dma_start3A_105 = tpu.memref_slice %arg2[%select_n3A, %squeeze3A, %dma_start3A_98, %dma_start3A_103, %dma_start3A_104] : memref<8x16x3x256x256xf32, #tpu.memory_space<hbm>> -> memref<1x1x1x128x256xf32, #tpu.memory_space<hbm>>
    %dma_start3A_106 = tpu.memref_squeeze %dma_start3A_105 : memref<1x1x1x128x256xf32, #tpu.memory_space<hbm>> -> memref<128x256xf32, #tpu.memory_space<hbm>>
    tpu.enqueue_dma source(%dma_start3A_106 : memref<128x256xf32, #tpu.memory_space<hbm>>) target(%arg8 : memref<128x256xf32, #tpu.memory_space<vmem>>) target_semaphore(%arg12 : memref<!tpu.dma_semaphore, #tpu.memory_space<semaphore_mem>>)
    %dma_wait3A = arith.constant 0 : i32
    %dma_wait3A_107 = arith.constant 0 : i32
    %dma_wait3A_108 = arith.constant 0 : i32
    %dma_wait3A_109 = tpu.memref_slice %arg2[%select_n3A, %squeeze3A, %dma_wait3A, %dma_wait3A_107, %dma_wait3A_108] : memref<8x16x3x256x256xf32, #tpu.memory_space<hbm>> -> memref<1x1x1x128x256xf32, #tpu.memory_space<hbm>>
    %dma_wait3A_110 = tpu.memref_squeeze %dma_wait3A_109 : memref<1x1x1x128x256xf32, #tpu.memory_space<hbm>> -> memref<128x256xf32, #tpu.memory_space<hbm>>
    %dma_wait3A_111 = arith.constant 0 : i32
    %dma_wait3A_112 = arith.constant 0 : i32
    %dma_wait3A_113 = tpu.memref_slice %arg2[%select_n3A, %squeeze3A, %dma_wait3A, %dma_wait3A_111, %dma_wait3A_112] : memref<8x16x3x256x256xf32, #tpu.memory_space<hbm>> -> memref<1x1x1x128x256xf32, #tpu.memory_space<hbm>>
    %dma_wait3A_114 = tpu.memref_squeeze %dma_wait3A_113 : memref<1x1x1x128x256xf32, #tpu.memory_space<hbm>> -> memref<128x256xf32, #tpu.memory_space<hbm>>
    tpu.wait_dma2 semaphore(%arg10 : memref<!tpu.dma_semaphore, #tpu.memory_space<semaphore_mem>>) src(%dma_wait3A_114 : memref<128x256xf32, #tpu.memory_space<hbm>>) dst(%arg6 : memref<128x256xf32, #tpu.memory_space<vmem>>)
    %dma_start3A_115 = arith.constant 0 : i32
    %dma_start3A_116 = arith.constant 0 : i32
    %dma_start3A_117 = arith.constant 0 : i32
    %dma_start3A_118 = tpu.memref_slice %arg4[%select_n3A, %select_n3A_62, %dma_start3A_115, %dma_start3A_116, %dma_start3A_117] : memref<8x8x3x256x256xf32, #tpu.memory_space<hbm>> -> memref<1x1x1x128x256xf32, #tpu.memory_space<hbm>>
    %dma_start3A_119 = tpu.memref_squeeze %dma_start3A_118 : memref<1x1x1x128x256xf32, #tpu.memory_space<hbm>> -> memref<128x256xf32, #tpu.memory_space<hbm>>
    %dma_start3A_120 = arith.constant 0 : i32
    %dma_start3A_121 = arith.constant 0 : i32
    %dma_start3A_122 = tpu.memref_slice %arg4[%select_n3A, %select_n3A_62, %dma_start3A_115, %dma_start3A_120, %dma_start3A_121] : memref<8x8x3x256x256xf32, #tpu.memory_space<hbm>> -> memref<1x1x1x128x256xf32, #tpu.memory_space<hbm>>
    %dma_start3A_123 = tpu.memref_squeeze %dma_start3A_122 : memref<1x1x1x128x256xf32, #tpu.memory_space<hbm>> -> memref<128x256xf32, #tpu.memory_space<hbm>>
    tpu.enqueue_dma source(%arg6 : memref<128x256xf32, #tpu.memory_space<vmem>>) target(%dma_start3A_123 : memref<128x256xf32, #tpu.memory_space<hbm>>) target_semaphore(%arg13 : memref<!tpu.dma_semaphore, #tpu.memory_space<semaphore_mem>>)
    %dma_wait3A_124 = arith.constant 0 : i32
    %dma_wait3A_125 = arith.constant 0 : i32
    %dma_wait3A_126 = arith.constant 0 : i32
    %dma_wait3A_127 = tpu.memref_slice %arg4[%select_n3A, %select_n3A_62, %dma_wait3A_124, %dma_wait3A_125, %dma_wait3A_126] : memref<8x8x3x256x256xf32, #tpu.memory_space<hbm>> -> memref<1x1x1x128x256xf32, #tpu.memory_space<hbm>>
    %dma_wait3A_128 = tpu.memref_squeeze %dma_wait3A_127 : memref<1x1x1x128x256xf32, #tpu.memory_space<hbm>> -> memref<128x256xf32, #tpu.memory_space<hbm>>
    %dma_wait3A_129 = arith.constant 0 : i32
    %dma_wait3A_130 = arith.constant 0 : i32
    %dma_wait3A_131 = tpu.memref_slice %arg4[%select_n3A, %select_n3A_62, %dma_wait3A_124, %dma_wait3A_129, %dma_wait3A_130] : memref<8x8x3x256x256xf32, #tpu.memory_space<hbm>> -> memref<1x1x1x128x256xf32, #tpu.memory_space<hbm>>
    %dma_wait3A_132 = tpu.memref_squeeze %dma_wait3A_131 : memref<1x1x1x128x256xf32, #tpu.memory_space<hbm>> -> memref<128x256xf32, #tpu.memory_space<hbm>>
    tpu.wait_dma2 semaphore(%arg13 : memref<!tpu.dma_semaphore, #tpu.memory_space<semaphore_mem>>) src(%arg6 : memref<128x256xf32, #tpu.memory_space<vmem>>) dst(%dma_wait3A_132 : memref<128x256xf32, #tpu.memory_space<hbm>>)
    %dma_start3A_133 = arith.constant 1 : i32
    %dma_start3A_134 = arith.constant 128 : i32
    %dma_start3A_135 = arith.constant 0 : i32
    %dma_start3A_136 = tpu.memref_slice %arg2[%select_n3A, %squeeze3A, %dma_start3A_133, %dma_start3A_134, %dma_start3A_135] : memref<8x16x3x256x256xf32, #tpu.memory_space<hbm>> -> memref<1x1x1x128x256xf32, #tpu.memory_space<hbm>>
    %dma_start3A_137 = tpu.memref_squeeze %dma_start3A_136 : memref<1x1x1x128x256xf32, #tpu.memory_space<hbm>> -> memref<128x256xf32, #tpu.memory_space<hbm>>
    %dma_start3A_138 = arith.constant 128 : i32
    %dma_start3A_139 = arith.constant 0 : i32
    %dma_start3A_140 = tpu.memref_slice %arg2[%select_n3A, %squeeze3A, %dma_start3A_133, %dma_start3A_138, %dma_start3A_139] : memref<8x16x3x256x256xf32, #tpu.memory_space<hbm>> -> memref<1x1x1x128x256xf32, #tpu.memory_space<hbm>>
    %dma_start3A_141 = tpu.memref_squeeze %dma_start3A_140 : memref<1x1x1x128x256xf32, #tpu.memory_space<hbm>> -> memref<128x256xf32, #tpu.memory_space<hbm>>
    tpu.enqueue_dma source(%dma_start3A_141 : memref<128x256xf32, #tpu.memory_space<hbm>>) target(%arg6 : memref<128x256xf32, #tpu.memory_space<vmem>>) target_semaphore(%arg10 : memref<!tpu.dma_semaphore, #tpu.memory_space<semaphore_mem>>)
    %dma_wait3A_142 = arith.constant 0 : i32
    %dma_wait3A_143 = arith.constant 128 : i32
    %dma_wait3A_144 = arith.constant 0 : i32
    %dma_wait3A_145 = tpu.memref_slice %arg2[%select_n3A, %squeeze3A, %dma_wait3A_142, %dma_wait3A_143, %dma_wait3A_144] : memref<8x16x3x256x256xf32, #tpu.memory_space<hbm>> -> memref<1x1x1x128x256xf32, #tpu.memory_space<hbm>>
    %dma_wait3A_146 = tpu.memref_squeeze %dma_wait3A_145 : memref<1x1x1x128x256xf32, #tpu.memory_space<hbm>> -> memref<128x256xf32, #tpu.memory_space<hbm>>
    %dma_wait3A_147 = arith.constant 128 : i32
    %dma_wait3A_148 = arith.constant 0 : i32
    %dma_wait3A_149 = tpu.memref_slice %arg2[%select_n3A, %squeeze3A, %dma_wait3A_142, %dma_wait3A_147, %dma_wait3A_148] : memref<8x16x3x256x256xf32, #tpu.memory_space<hbm>> -> memref<1x1x1x128x256xf32, #tpu.memory_space<hbm>>
    %dma_wait3A_150 = tpu.memref_squeeze %dma_wait3A_149 : memref<1x1x1x128x256xf32, #tpu.memory_space<hbm>> -> memref<128x256xf32, #tpu.memory_space<hbm>>
    tpu.wait_dma2 semaphore(%arg11 : memref<!tpu.dma_semaphore, #tpu.memory_space<semaphore_mem>>) src(%dma_wait3A_150 : memref<128x256xf32, #tpu.memory_space<hbm>>) dst(%arg7 : memref<128x256xf32, #tpu.memory_space<vmem>>)
    %dma_start3A_151 = arith.constant 0 : i32
    %dma_start3A_152 = arith.constant 128 : i32
    %dma_start3A_153 = arith.constant 0 : i32
    %dma_start3A_154 = tpu.memref_slice %arg4[%select_n3A, %select_n3A_62, %dma_start3A_151, %dma_start3A_152, %dma_start3A_153] : memref<8x8x3x256x256xf32, #tpu.memory_space<hbm>> -> memref<1x1x1x128x256xf32, #tpu.memory_space<hbm>>
    %dma_start3A_155 = tpu.memref_squeeze %dma_start3A_154 : memref<1x1x1x128x256xf32, #tpu.memory_space<hbm>> -> memref<128x256xf32, #tpu.memory_space<hbm>>
    %dma_start3A_156 = arith.constant 128 : i32
    %dma_start3A_157 = arith.constant 0 : i32
    %dma_start3A_158 = tpu.memref_slice %arg4[%select_n3A, %select_n3A_62, %dma_start3A_151, %dma_start3A_156, %dma_start3A_157] : memref<8x8x3x256x256xf32, #tpu.memory_space<hbm>> -> memref<1x1x1x128x256xf32, #tpu.memory_space<hbm>>
    %dma_start3A_159 = tpu.memref_squeeze %dma_start3A_158 : memref<1x1x1x128x256xf32, #tpu.memory_space<hbm>> -> memref<128x256xf32, #tpu.memory_space<hbm>>
    tpu.enqueue_dma source(%arg7 : memref<128x256xf32, #tpu.memory_space<vmem>>) target(%dma_start3A_159 : memref<128x256xf32, #tpu.memory_space<hbm>>) target_semaphore(%arg14 : memref<!tpu.dma_semaphore, #tpu.memory_space<semaphore_mem>>)
    %dma_wait3A_160 = arith.constant 0 : i32
    %dma_wait3A_161 = arith.constant 128 : i32
    %dma_wait3A_162 = arith.constant 0 : i32
    %dma_wait3A_163 = tpu.memref_slice %arg4[%select_n3A, %select_n3A_62, %dma_wait3A_160, %dma_wait3A_161, %dma_wait3A_162] : memref<8x8x3x256x256xf32, #tpu.memory_space<hbm>> -> memref<1x1x1x128x256xf32, #tpu.memory_space<hbm>>
    %dma_wait3A_164 = tpu.memref_squeeze %dma_wait3A_163 : memref<1x1x1x128x256xf32, #tpu.memory_space<hbm>> -> memref<128x256xf32, #tpu.memory_space<hbm>>
    %dma_wait3A_165 = arith.constant 128 : i32
    %dma_wait3A_166 = arith.constant 0 : i32
    %dma_wait3A_167 = tpu.memref_slice %arg4[%select_n3A, %select_n3A_62, %dma_wait3A_160, %dma_wait3A_165, %dma_wait3A_166] : memref<8x8x3x256x256xf32, #tpu.memory_space<hbm>> -> memref<1x1x1x128x256xf32, #tpu.memory_space<hbm>>
    %dma_wait3A_168 = tpu.memref_squeeze %dma_wait3A_167 : memref<1x1x1x128x256xf32, #tpu.memory_space<hbm>> -> memref<128x256xf32, #tpu.memory_space<hbm>>
    tpu.wait_dma2 semaphore(%arg14 : memref<!tpu.dma_semaphore, #tpu.memory_space<semaphore_mem>>) src(%arg7 : memref<128x256xf32, #tpu.memory_space<vmem>>) dst(%dma_wait3A_168 : memref<128x256xf32, #tpu.memory_space<hbm>>)
    %dma_start3A_169 = arith.constant 2 : i32
    %dma_start3A_170 = arith.constant 0 : i32
    %dma_start3A_171 = arith.constant 0 : i32
    %dma_start3A_172 = tpu.memref_slice %arg2[%select_n3A, %squeeze3A, %dma_start3A_169, %dma_start3A_170, %dma_start3A_171] : memref<8x16x3x256x256xf32, #tpu.memory_space<hbm>> -> memref<1x1x1x128x256xf32, #tpu.memory_space<hbm>>
    %dma_start3A_173 = tpu.memref_squeeze %dma_start3A_172 : memref<1x1x1x128x256xf32, #tpu.memory_space<hbm>> -> memref<128x256xf32, #tpu.memory_space<hbm>>
    %dma_start3A_174 = arith.constant 0 : i32
    %dma_start3A_175 = arith.constant 0 : i32
    %dma_start3A_176 = tpu.memref_slice %arg2[%select_n3A, %squeeze3A, %dma_start3A_169, %dma_start3A_174, %dma_start3A_175] : memref<8x16x3x256x256xf32, #tpu.memory_space<hbm>> -> memref<1x1x1x128x256xf32, #tpu.memory_space<hbm>>
    %dma_start3A_177 = tpu.memref_squeeze %dma_start3A_176 : memref<1x1x1x128x256xf32, #tpu.memory_space<hbm>> -> memref<128x256xf32, #tpu.memory_space<hbm>>
    tpu.enqueue_dma source(%dma_start3A_177 : memref<128x256xf32, #tpu.memory_space<hbm>>) target(%arg7 : memref<128x256xf32, #tpu.memory_space<vmem>>) target_semaphore(%arg11 : memref<!tpu.dma_semaphore, #tpu.memory_space<semaphore_mem>>)
    %dma_wait3A_178 = arith.constant 1 : i32
    %dma_wait3A_179 = arith.constant 0 : i32
    %dma_wait3A_180 = arith.constant 0 : i32
    %dma_wait3A_181 = tpu.memref_slice %arg2[%select_n3A, %squeeze3A, %dma_wait3A_178, %dma_wait3A_179, %dma_wait3A_180] : memref<8x16x3x256x256xf32, #tpu.memory_space<hbm>> -> memref<1x1x1x128x256xf32, #tpu.memory_space<hbm>>
    %dma_wait3A_182 = tpu.memref_squeeze %dma_wait3A_181 : memref<1x1x1x128x256xf32, #tpu.memory_space<hbm>> -> memref<128x256xf32, #tpu.memory_space<hbm>>
    %dma_wait3A_183 = arith.constant 0 : i32
    %dma_wait3A_184 = arith.constant 0 : i32
    %dma_wait3A_185 = tpu.memref_slice %arg2[%select_n3A, %squeeze3A, %dma_wait3A_178, %dma_wait3A_183, %dma_wait3A_184] : memref<8x16x3x256x256xf32, #tpu.memory_space<hbm>> -> memref<1x1x1x128x256xf32, #tpu.memory_space<hbm>>
    %dma_wait3A_186 = tpu.memref_squeeze %dma_wait3A_185 : memref<1x1x1x128x256xf32, #tpu.memory_space<hbm>> -> memref<128x256xf32, #tpu.memory_space<hbm>>
    tpu.wait_dma2 semaphore(%arg12 : memref<!tpu.dma_semaphore, #tpu.memory_space<semaphore_mem>>) src(%dma_wait3A_186 : memref<128x256xf32, #tpu.memory_space<hbm>>) dst(%arg8 : memref<128x256xf32, #tpu.memory_space<vmem>>)
    %dma_start3A_187 = arith.constant 1 : i32
    %dma_start3A_188 = arith.constant 0 : i32
    %dma_start3A_189 = arith.constant 0 : i32
    %dma_start3A_190 = tpu.memref_slice %arg4[%select_n3A, %select_n3A_62, %dma_start3A_187, %dma_start3A_188, %dma_start3A_189] : memref<8x8x3x256x256xf32, #tpu.memory_space<hbm>> -> memref<1x1x1x128x256xf32, #tpu.memory_space<hbm>>
    %dma_start3A_191 = tpu.memref_squeeze %dma_start3A_190 : memref<1x1x1x128x256xf32, #tpu.memory_space<hbm>> -> memref<128x256xf32, #tpu.memory_space<hbm>>
    %dma_start3A_192 = arith.constant 0 : i32
    %dma_start3A_193 = arith.constant 0 : i32
    %dma_start3A_194 = tpu.memref_slice %arg4[%select_n3A, %select_n3A_62, %dma_start3A_187, %dma_start3A_192, %dma_start3A_193] : memref<8x8x3x256x256xf32, #tpu.memory_space<hbm>> -> memref<1x1x1x128x256xf32, #tpu.memory_space<hbm>>
    %dma_start3A_195 = tpu.memref_squeeze %dma_start3A_194 : memref<1x1x1x128x256xf32, #tpu.memory_space<hbm>> -> memref<128x256xf32, #tpu.memory_space<hbm>>
    tpu.enqueue_dma source(%arg8 : memref<128x256xf32, #tpu.memory_space<vmem>>) target(%dma_start3A_195 : memref<128x256xf32, #tpu.memory_space<hbm>>) target_semaphore(%arg15 : memref<!tpu.dma_semaphore, #tpu.memory_space<semaphore_mem>>)
    %dma_wait3A_196 = arith.constant 1 : i32
    %dma_wait3A_197 = arith.constant 0 : i32
    %dma_wait3A_198 = arith.constant 0 : i32
    %dma_wait3A_199 = tpu.memref_slice %arg4[%select_n3A, %select_n3A_62, %dma_wait3A_196, %dma_wait3A_197, %dma_wait3A_198] : memref<8x8x3x256x256xf32, #tpu.memory_space<hbm>> -> memref<1x1x1x128x256xf32, #tpu.memory_space<hbm>>
    %dma_wait3A_200 = tpu.memref_squeeze %dma_wait3A_199 : memref<1x1x1x128x256xf32, #tpu.memory_space<hbm>> -> memref<128x256xf32, #tpu.memory_space<hbm>>
    %dma_wait3A_201 = arith.constant 0 : i32
    %dma_wait3A_202 = arith.constant 0 : i32
    %dma_wait3A_203 = tpu.memref_slice %arg4[%select_n3A, %select_n3A_62, %dma_wait3A_196, %dma_wait3A_201, %dma_wait3A_202] : memref<8x8x3x256x256xf32, #tpu.memory_space<hbm>> -> memref<1x1x1x128x256xf32, #tpu.memory_space<hbm>>
    %dma_wait3A_204 = tpu.memref_squeeze %dma_wait3A_203 : memref<1x1x1x128x256xf32, #tpu.memory_space<hbm>> -> memref<128x256xf32, #tpu.memory_space<hbm>>
    tpu.wait_dma2 semaphore(%arg15 : memref<!tpu.dma_semaphore, #tpu.memory_space<semaphore_mem>>) src(%arg8 : memref<128x256xf32, #tpu.memory_space<vmem>>) dst(%dma_wait3A_204 : memref<128x256xf32, #tpu.memory_space<hbm>>)
    %dma_start3A_205 = arith.constant 2 : i32
    %dma_start3A_206 = arith.constant 128 : i32
    %dma_start3A_207 = arith.constant 0 : i32
    %dma_start3A_208 = tpu.memref_slice %arg2[%select_n3A, %squeeze3A, %dma_start3A_205, %dma_start3A_206, %dma_start3A_207] : memref<8x16x3x256x256xf32, #tpu.memory_space<hbm>> -> memref<1x1x1x128x256xf32, #tpu.memory_space<hbm>>
    %dma_start3A_209 = tpu.memref_squeeze %dma_start3A_208 : memref<1x1x1x128x256xf32, #tpu.memory_space<hbm>> -> memref<128x256xf32, #tpu.memory_space<hbm>>
    %dma_start3A_210 = arith.constant 128 : i32
    %dma_start3A_211 = arith.constant 0 : i32
    %dma_start3A_212 = tpu.memref_slice %arg2[%select_n3A, %squeeze3A, %dma_start3A_205, %dma_start3A_210, %dma_start3A_211] : memref<8x16x3x256x256xf32, #tpu.memory_space<hbm>> -> memref<1x1x1x128x256xf32, #tpu.memory_space<hbm>>
    %dma_start3A_213 = tpu.memref_squeeze %dma_start3A_212 : memref<1x1x1x128x256xf32, #tpu.memory_space<hbm>> -> memref<128x256xf32, #tpu.memory_space<hbm>>
    tpu.enqueue_dma source(%dma_start3A_213 : memref<128x256xf32, #tpu.memory_space<hbm>>) target(%arg8 : memref<128x256xf32, #tpu.memory_space<vmem>>) target_semaphore(%arg12 : memref<!tpu.dma_semaphore, #tpu.memory_space<semaphore_mem>>)
    %dma_wait3A_214 = arith.constant 1 : i32
    %dma_wait3A_215 = arith.constant 128 : i32
    %dma_wait3A_216 = arith.constant 0 : i32
    %dma_wait3A_217 = tpu.memref_slice %arg2[%select_n3A, %squeeze3A, %dma_wait3A_214, %dma_wait3A_215, %dma_wait3A_216] : memref<8x16x3x256x256xf32, #tpu.memory_space<hbm>> -> memref<1x1x1x128x256xf32, #tpu.memory_space<hbm>>
    %dma_wait3A_218 = tpu.memref_squeeze %dma_wait3A_217 : memref<1x1x1x128x256xf32, #tpu.memory_space<hbm>> -> memref<128x256xf32, #tpu.memory_space<hbm>>
    %dma_wait3A_219 = arith.constant 128 : i32
    %dma_wait3A_220 = arith.constant 0 : i32
    %dma_wait3A_221 = tpu.memref_slice %arg2[%select_n3A, %squeeze3A, %dma_wait3A_214, %dma_wait3A_219, %dma_wait3A_220] : memref<8x16x3x256x256xf32, #tpu.memory_space<hbm>> -> memref<1x1x1x128x256xf32, #tpu.memory_space<hbm>>
    %dma_wait3A_222 = tpu.memref_squeeze %dma_wait3A_221 : memref<1x1x1x128x256xf32, #tpu.memory_space<hbm>> -> memref<128x256xf32, #tpu.memory_space<hbm>>
    tpu.wait_dma2 semaphore(%arg10 : memref<!tpu.dma_semaphore, #tpu.memory_space<semaphore_mem>>) src(%dma_wait3A_222 : memref<128x256xf32, #tpu.memory_space<hbm>>) dst(%arg6 : memref<128x256xf32, #tpu.memory_space<vmem>>)
    %dma_start3A_223 = arith.constant 1 : i32
    %dma_start3A_224 = arith.constant 128 : i32
    %dma_start3A_225 = arith.constant 0 : i32
    %dma_start3A_226 = tpu.memref_slice %arg4[%select_n3A, %select_n3A_62, %dma_start3A_223, %dma_start3A_224, %dma_start3A_225] : memref<8x8x3x256x256xf32, #tpu.memory_space<hbm>> -> memref<1x1x1x128x256xf32, #tpu.memory_space<hbm>>
    %dma_start3A_227 = tpu.memref_squeeze %dma_start3A_226 : memref<1x1x1x128x256xf32, #tpu.memory_space<hbm>> -> memref<128x256xf32, #tpu.memory_space<hbm>>
    %dma_start3A_228 = arith.constant 128 : i32
    %dma_start3A_229 = arith.constant 0 : i32
    %dma_start3A_230 = tpu.memref_slice %arg4[%select_n3A, %select_n3A_62, %dma_start3A_223, %dma_start3A_228, %dma_start3A_229] : memref<8x8x3x256x256xf32, #tpu.memory_space<hbm>> -> memref<1x1x1x128x256xf32, #tpu.memory_space<hbm>>
    %dma_start3A_231 = tpu.memref_squeeze %dma_start3A_230 : memref<1x1x1x128x256xf32, #tpu.memory_space<hbm>> -> memref<128x256xf32, #tpu.memory_space<hbm>>
    tpu.enqueue_dma source(%arg6 : memref<128x256xf32, #tpu.memory_space<vmem>>) target(%dma_start3A_231 : memref<128x256xf32, #tpu.memory_space<hbm>>) target_semaphore(%arg13 : memref<!tpu.dma_semaphore, #tpu.memory_space<semaphore_mem>>)
    %dma_wait3A_232 = arith.constant 1 : i32
    %dma_wait3A_233 = arith.constant 128 : i32
    %dma_wait3A_234 = arith.constant 0 : i32
    %dma_wait3A_235 = tpu.memref_slice %arg4[%select_n3A, %select_n3A_62, %dma_wait3A_232, %dma_wait3A_233, %dma_wait3A_234] : memref<8x8x3x256x256xf32, #tpu.memory_space<hbm>> -> memref<1x1x1x128x256xf32, #tpu.memory_space<hbm>>
    %dma_wait3A_236 = tpu.memref_squeeze %dma_wait3A_235 : memref<1x1x1x128x256xf32, #tpu.memory_space<hbm>> -> memref<128x256xf32, #tpu.memory_space<hbm>>
    %dma_wait3A_237 = arith.constant 128 : i32
    %dma_wait3A_238 = arith.constant 0 : i32
    %dma_wait3A_239 = tpu.memref_slice %arg4[%select_n3A, %select_n3A_62, %dma_wait3A_232, %dma_wait3A_237, %dma_wait3A_238] : memref<8x8x3x256x256xf32, #tpu.memory_space<hbm>> -> memref<1x1x1x128x256xf32, #tpu.memory_space<hbm>>
    %dma_wait3A_240 = tpu.memref_squeeze %dma_wait3A_239 : memref<1x1x1x128x256xf32, #tpu.memory_space<hbm>> -> memref<128x256xf32, #tpu.memory_space<hbm>>
    tpu.wait_dma2 semaphore(%arg13 : memref<!tpu.dma_semaphore, #tpu.memory_space<semaphore_mem>>) src(%arg6 : memref<128x256xf32, #tpu.memory_space<vmem>>) dst(%dma_wait3A_240 : memref<128x256xf32, #tpu.memory_space<hbm>>)
    %dma_start3A_241 = arith.constant 0 : i32
    %dma_start3A_242 = arith.constant 0 : i32
    %dma_start3A_243 = arith.constant 0 : i32
    %dma_start3A_244 = tpu.memref_slice %arg2[%select_n3A_48, %squeeze3A_6, %dma_start3A_241, %dma_start3A_242, %dma_start3A_243] : memref<8x16x3x256x256xf32, #tpu.memory_space<hbm>> -> memref<1x1x1x128x256xf32, #tpu.memory_space<hbm>>
    %dma_start3A_245 = tpu.memref_squeeze %dma_start3A_244 : memref<1x1x1x128x256xf32, #tpu.memory_space<hbm>> -> memref<128x256xf32, #tpu.memory_space<hbm>>
    %dma_start3A_246 = arith.constant 0 : i32
    %dma_start3A_247 = arith.constant 0 : i32
    %dma_start3A_248 = tpu.memref_slice %arg2[%select_n3A_48, %squeeze3A_6, %dma_start3A_241, %dma_start3A_246, %dma_start3A_247] : memref<8x16x3x256x256xf32, #tpu.memory_space<hbm>> -> memref<1x1x1x128x256xf32, #tpu.memory_space<hbm>>
    %dma_start3A_249 = tpu.memref_squeeze %dma_start3A_248 : memref<1x1x1x128x256xf32, #tpu.memory_space<hbm>> -> memref<128x256xf32, #tpu.memory_space<hbm>>
    tpu.enqueue_dma source(%dma_start3A_249 : memref<128x256xf32, #tpu.memory_space<hbm>>) target(%arg6 : memref<128x256xf32, #tpu.memory_space<vmem>>) target_semaphore(%arg10 : memref<!tpu.dma_semaphore, #tpu.memory_space<semaphore_mem>>)
    %dma_wait3A_250 = arith.constant 2 : i32
    %dma_wait3A_251 = arith.constant 0 : i32
    %dma_wait3A_252 = arith.constant 0 : i32
    %dma_wait3A_253 = tpu.memref_slice %arg2[%select_n3A, %squeeze3A, %dma_wait3A_250, %dma_wait3A_251, %dma_wait3A_252] : memref<8x16x3x256x256xf32, #tpu.memory_space<hbm>> -> memref<1x1x1x128x256xf32, #tpu.memory_space<hbm>>
    %dma_wait3A_254 = tpu.memref_squeeze %dma_wait3A_253 : memref<1x1x1x128x256xf32, #tpu.memory_space<hbm>> -> memref<128x256xf32, #tpu.memory_space<hbm>>
    %dma_wait3A_255 = arith.constant 0 : i32
    %dma_wait3A_256 = arith.constant 0 : i32
    %dma_wait3A_257 = tpu.memref_slice %arg2[%select_n3A, %squeeze3A, %dma_wait3A_250, %dma_wait3A_255, %dma_wait3A_256] : memref<8x16x3x256x256xf32, #tpu.memory_space<hbm>> -> memref<1x1x1x128x256xf32, #tpu.memory_space<hbm>>
    %dma_wait3A_258 = tpu.memref_squeeze %dma_wait3A_257 : memref<1x1x1x128x256xf32, #tpu.memory_space<hbm>> -> memref<128x256xf32, #tpu.memory_space<hbm>>
    tpu.wait_dma2 semaphore(%arg11 : memref<!tpu.dma_semaphore, #tpu.memory_space<semaphore_mem>>) src(%dma_wait3A_258 : memref<128x256xf32, #tpu.memory_space<hbm>>) dst(%arg7 : memref<128x256xf32, #tpu.memory_space<vmem>>)
    %dma_start3A_259 = arith.constant 2 : i32
    %dma_start3A_260 = arith.constant 0 : i32
    %dma_start3A_261 = arith.constant 0 : i32
    %dma_start3A_262 = tpu.memref_slice %arg4[%select_n3A, %select_n3A_62, %dma_start3A_259, %dma_start3A_260, %dma_start3A_261] : memref<8x8x3x256x256xf32, #tpu.memory_space<hbm>> -> memref<1x1x1x128x256xf32, #tpu.memory_space<hbm>>
    %dma_start3A_263 = tpu.memref_squeeze %dma_start3A_262 : memref<1x1x1x128x256xf32, #tpu.memory_space<hbm>> -> memref<128x256xf32, #tpu.memory_space<hbm>>
    %dma_start3A_264 = arith.constant 0 : i32
    %dma_start3A_265 = arith.constant 0 : i32
    %dma_start3A_266 = tpu.memref_slice %arg4[%select_n3A, %select_n3A_62, %dma_start3A_259, %dma_start3A_264, %dma_start3A_265] : memref<8x8x3x256x256xf32, #tpu.memory_space<hbm>> -> memref<1x1x1x128x256xf32, #tpu.memory_space<hbm>>
    %dma_start3A_267 = tpu.memref_squeeze %dma_start3A_266 : memref<1x1x1x128x256xf32, #tpu.memory_space<hbm>> -> memref<128x256xf32, #tpu.memory_space<hbm>>
    tpu.enqueue_dma source(%arg7 : memref<128x256xf32, #tpu.memory_space<vmem>>) target(%dma_start3A_267 : memref<128x256xf32, #tpu.memory_space<hbm>>) target_semaphore(%arg14 : memref<!tpu.dma_semaphore, #tpu.memory_space<semaphore_mem>>)
    %dma_wait3A_268 = arith.constant 2 : i32
    %dma_wait3A_269 = arith.constant 0 : i32
    %dma_wait3A_270 = arith.constant 0 : i32
    %dma_wait3A_271 = tpu.memref_slice %arg4[%select_n3A, %select_n3A_62, %dma_wait3A_268, %dma_wait3A_269, %dma_wait3A_270] : memref<8x8x3x256x256xf32, #tpu.memory_space<hbm>> -> memref<1x1x1x128x256xf32, #tpu.memory_space<hbm>>
    %dma_wait3A_272 = tpu.memref_squeeze %dma_wait3A_271 : memref<1x1x1x128x256xf32, #tpu.memory_space<hbm>> -> memref<128x256xf32, #tpu.memory_space<hbm>>
    %dma_wait3A_273 = arith.constant 0 : i32
    %dma_wait3A_274 = arith.constant 0 : i32
    %dma_wait3A_275 = tpu.memref_slice %arg4[%select_n3A, %select_n3A_62, %dma_wait3A_268, %dma_wait3A_273, %dma_wait3A_274] : memref<8x8x3x256x256xf32, #tpu.memory_space<hbm>> -> memref<1x1x1x128x256xf32, #tpu.memory_space<hbm>>
    %dma_wait3A_276 = tpu.memref_squeeze %dma_wait3A_275 : memref<1x1x1x128x256xf32, #tpu.memory_space<hbm>> -> memref<128x256xf32, #tpu.memory_space<hbm>>
    tpu.wait_dma2 semaphore(%arg14 : memref<!tpu.dma_semaphore, #tpu.memory_space<semaphore_mem>>) src(%arg7 : memref<128x256xf32, #tpu.memory_space<vmem>>) dst(%dma_wait3A_276 : memref<128x256xf32, #tpu.memory_space<hbm>>)
    %dma_start3A_277 = arith.constant 0 : i32
    %dma_start3A_278 = arith.constant 128 : i32
    %dma_start3A_279 = arith.constant 0 : i32
    %dma_start3A_280 = tpu.memref_slice %arg2[%select_n3A_48, %squeeze3A_6, %dma_start3A_277, %dma_start3A_278, %dma_start3A_279] : memref<8x16x3x256x256xf32, #tpu.memory_space<hbm>> -> memref<1x1x1x128x256xf32, #tpu.memory_space<hbm>>
    %dma_start3A_281 = tpu.memref_squeeze %dma_start3A_280 : memref<1x1x1x128x256xf32, #tpu.memory_space<hbm>> -> memref<128x256xf32, #tpu.memory_space<hbm>>
    %dma_start3A_282 = arith.constant 128 : i32
    %dma_start3A_283 = arith.constant 0 : i32
    %dma_start3A_284 = tpu.memref_slice %arg2[%select_n3A_48, %squeeze3A_6, %dma_start3A_277, %dma_start3A_282, %dma_start3A_283] : memref<8x16x3x256x256xf32, #tpu.memory_space<hbm>> -> memref<1x1x1x128x256xf32, #tpu.memory_space<hbm>>
    %dma_start3A_285 = tpu.memref_squeeze %dma_start3A_284 : memref<1x1x1x128x256xf32, #tpu.memory_space<hbm>> -> memref<128x256xf32, #tpu.memory_space<hbm>>
    tpu.enqueue_dma source(%dma_start3A_285 : memref<128x256xf32, #tpu.memory_space<hbm>>) target(%arg7 : memref<128x256xf32, #tpu.memory_space<vmem>>) target_semaphore(%arg11 : memref<!tpu.dma_semaphore, #tpu.memory_space<semaphore_mem>>)
    %dma_wait3A_286 = arith.constant 2 : i32
    %dma_wait3A_287 = arith.constant 128 : i32
    %dma_wait3A_288 = arith.constant 0 : i32
    %dma_wait3A_289 = tpu.memref_slice %arg2[%select_n3A, %squeeze3A, %dma_wait3A_286, %dma_wait3A_287, %dma_wait3A_288] : memref<8x16x3x256x256xf32, #tpu.memory_space<hbm>> -> memref<1x1x1x128x256xf32, #tpu.memory_space<hbm>>
    %dma_wait3A_290 = tpu.memref_squeeze %dma_wait3A_289 : memref<1x1x1x128x256xf32, #tpu.memory_space<hbm>> -> memref<128x256xf32, #tpu.memory_space<hbm>>
    %dma_wait3A_291 = arith.constant 128 : i32
    %dma_wait3A_292 = arith.constant 0 : i32
    %dma_wait3A_293 = tpu.memref_slice %arg2[%select_n3A, %squeeze3A, %dma_wait3A_286, %dma_wait3A_291, %dma_wait3A_292] : memref<8x16x3x256x256xf32, #tpu.memory_space<hbm>> -> memref<1x1x1x128x256xf32, #tpu.memory_space<hbm>>
    %dma_wait3A_294 = tpu.memref_squeeze %dma_wait3A_293 : memref<1x1x1x128x256xf32, #tpu.memory_space<hbm>> -> memref<128x256xf32, #tpu.memory_space<hbm>>
    tpu.wait_dma2 semaphore(%arg12 : memref<!tpu.dma_semaphore, #tpu.memory_space<semaphore_mem>>) src(%dma_wait3A_294 : memref<128x256xf32, #tpu.memory_space<hbm>>) dst(%arg8 : memref<128x256xf32, #tpu.memory_space<vmem>>)
    %dma_start3A_295 = arith.constant 2 : i32
    %dma_start3A_296 = arith.constant 128 : i32
    %dma_start3A_297 = arith.constant 0 : i32
    %dma_start3A_298 = tpu.memref_slice %arg4[%select_n3A, %select_n3A_62, %dma_start3A_295, %dma_start3A_296, %dma_start3A_297] : memref<8x8x3x256x256xf32, #tpu.memory_space<hbm>> -> memref<1x1x1x128x256xf32, #tpu.memory_space<hbm>>
    %dma_start3A_299 = tpu.memref_squeeze %dma_start3A_298 : memref<1x1x1x128x256xf32, #tpu.memory_space<hbm>> -> memref<128x256xf32, #tpu.memory_space<hbm>>
    %dma_start3A_300 = arith.constant 128 : i32
    %dma_start3A_301 = arith.constant 0 : i32
    %dma_start3A_302 = tpu.memref_slice %arg4[%select_n3A, %select_n3A_62, %dma_start3A_295, %dma_start3A_300, %dma_start3A_301] : memref<8x8x3x256x256xf32, #tpu.memory_space<hbm>> -> memref<1x1x1x128x256xf32, #tpu.memory_space<hbm>>
    %dma_start3A_303 = tpu.memref_squeeze %dma_start3A_302 : memref<1x1x1x128x256xf32, #tpu.memory_space<hbm>> -> memref<128x256xf32, #tpu.memory_space<hbm>>
    tpu.enqueue_dma source(%arg8 : memref<128x256xf32, #tpu.memory_space<vmem>>) target(%dma_start3A_303 : memref<128x256xf32, #tpu.memory_space<hbm>>) target_semaphore(%arg15 : memref<!tpu.dma_semaphore, #tpu.memory_space<semaphore_mem>>)
    %dma_wait3A_304 = arith.constant 2 : i32
    %dma_wait3A_305 = arith.constant 128 : i32
    %dma_wait3A_306 = arith.constant 0 : i32
    %dma_wait3A_307 = tpu.memref_slice %arg4[%select_n3A, %select_n3A_62, %dma_wait3A_304, %dma_wait3A_305, %dma_wait3A_306] : memref<8x8x3x256x256xf32, #tpu.memory_space<hbm>> -> memref<1x1x1x128x256xf32, #tpu.memory_space<hbm>>
    %dma_wait3A_308 = tpu.memref_squeeze %dma_wait3A_307 : memref<1x1x1x128x256xf32, #tpu.memory_space<hbm>> -> memref<128x256xf32, #tpu.memory_space<hbm>>
    %dma_wait3A_309 = arith.constant 128 : i32
    %dma_wait3A_310 = arith.constant 0 : i32
    %dma_wait3A_311 = tpu.memref_slice %arg4[%select_n3A, %select_n3A_62, %dma_wait3A_304, %dma_wait3A_309, %dma_wait3A_310] : memref<8x8x3x256x256xf32, #tpu.memory_space<hbm>> -> memref<1x1x1x128x256xf32, #tpu.memory_space<hbm>>
    %dma_wait3A_312 = tpu.memref_squeeze %dma_wait3A_311 : memref<1x1x1x128x256xf32, #tpu.memory_space<hbm>> -> memref<128x256xf32, #tpu.memory_space<hbm>>
    tpu.wait_dma2 semaphore(%arg15 : memref<!tpu.dma_semaphore, #tpu.memory_space<semaphore_mem>>) src(%arg8 : memref<128x256xf32, #tpu.memory_space<vmem>>) dst(%dma_wait3A_312 : memref<128x256xf32, #tpu.memory_space<hbm>>)
    %dma_start3A_313 = arith.constant 1 : i32
    %dma_start3A_314 = arith.constant 0 : i32
    %dma_start3A_315 = arith.constant 0 : i32
    %dma_start3A_316 = tpu.memref_slice %arg2[%select_n3A_48, %squeeze3A_6, %dma_start3A_313, %dma_start3A_314, %dma_start3A_315] : memref<8x16x3x256x256xf32, #tpu.memory_space<hbm>> -> memref<1x1x1x128x256xf32, #tpu.memory_space<hbm>>
    %dma_start3A_317 = tpu.memref_squeeze %dma_start3A_316 : memref<1x1x1x128x256xf32, #tpu.memory_space<hbm>> -> memref<128x256xf32, #tpu.memory_space<hbm>>
    %dma_start3A_318 = arith.constant 0 : i32
    %dma_start3A_319 = arith.constant 0 : i32
    %dma_start3A_320 = tpu.memref_slice %arg2[%select_n3A_48, %squeeze3A_6, %dma_start3A_313, %dma_start3A_318, %dma_start3A_319] : memref<8x16x3x256x256xf32, #tpu.memory_space<hbm>> -> memref<1x1x1x128x256xf32, #tpu.memory_space<hbm>>
    %dma_start3A_321 = tpu.memref_squeeze %dma_start3A_320 : memref<1x1x1x128x256xf32, #tpu.memory_space<hbm>> -> memref<128x256xf32, #tpu.memory_space<hbm>>
    tpu.enqueue_dma source(%dma_start3A_321 : memref<128x256xf32, #tpu.memory_space<hbm>>) target(%arg8 : memref<128x256xf32, #tpu.memory_space<vmem>>) target_semaphore(%arg12 : memref<!tpu.dma_semaphore, #tpu.memory_space<semaphore_mem>>)
    %dma_wait3A_322 = arith.constant 0 : i32
    %dma_wait3A_323 = arith.constant 0 : i32
    %dma_wait3A_324 = arith.constant 0 : i32
    %dma_wait3A_325 = tpu.memref_slice %arg2[%select_n3A_48, %squeeze3A_6, %dma_wait3A_322, %dma_wait3A_323, %dma_wait3A_324] : memref<8x16x3x256x256xf32, #tpu.memory_space<hbm>> -> memref<1x1x1x128x256xf32, #tpu.memory_space<hbm>>
    %dma_wait3A_326 = tpu.memref_squeeze %dma_wait3A_325 : memref<1x1x1x128x256xf32, #tpu.memory_space<hbm>> -> memref<128x256xf32, #tpu.memory_space<hbm>>
    %dma_wait3A_327 = arith.constant 0 : i32
    %dma_wait3A_328 = arith.constant 0 : i32
    %dma_wait3A_329 = tpu.memref_slice %arg2[%select_n3A_48, %squeeze3A_6, %dma_wait3A_322, %dma_wait3A_327, %dma_wait3A_328] : memref<8x16x3x256x256xf32, #tpu.memory_space<hbm>> -> memref<1x1x1x128x256xf32, #tpu.memory_space<hbm>>
    %dma_wait3A_330 = tpu.memref_squeeze %dma_wait3A_329 : memref<1x1x1x128x256xf32, #tpu.memory_space<hbm>> -> memref<128x256xf32, #tpu.memory_space<hbm>>
    tpu.wait_dma2 semaphore(%arg10 : memref<!tpu.dma_semaphore, #tpu.memory_space<semaphore_mem>>) src(%dma_wait3A_330 : memref<128x256xf32, #tpu.memory_space<hbm>>) dst(%arg6 : memref<128x256xf32, #tpu.memory_space<vmem>>)
    %dma_start3A_331 = arith.constant 0 : i32
    %dma_start3A_332 = arith.constant 0 : i32
    %dma_start3A_333 = arith.constant 0 : i32
    %dma_start3A_334 = tpu.memref_slice %arg4[%select_n3A_48, %select_n3A_80, %dma_start3A_331, %dma_start3A_332, %dma_start3A_333] : memref<8x8x3x256x256xf32, #tpu.memory_space<hbm>> -> memref<1x1x1x128x256xf32, #tpu.memory_space<hbm>>
    %dma_start3A_335 = tpu.memref_squeeze %dma_start3A_334 : memref<1x1x1x128x256xf32, #tpu.memory_space<hbm>> -> memref<128x256xf32, #tpu.memory_space<hbm>>
    %dma_start3A_336 = arith.constant 0 : i32
    %dma_start3A_337 = arith.constant 0 : i32
    %dma_start3A_338 = tpu.memref_slice %arg4[%select_n3A_48, %select_n3A_80, %dma_start3A_331, %dma_start3A_336, %dma_start3A_337] : memref<8x8x3x256x256xf32, #tpu.memory_space<hbm>> -> memref<1x1x1x128x256xf32, #tpu.memory_space<hbm>>
    %dma_start3A_339 = tpu.memref_squeeze %dma_start3A_338 : memref<1x1x1x128x256xf32, #tpu.memory_space<hbm>> -> memref<128x256xf32, #tpu.memory_space<hbm>>
    tpu.enqueue_dma source(%arg6 : memref<128x256xf32, #tpu.memory_space<vmem>>) target(%dma_start3A_339 : memref<128x256xf32, #tpu.memory_space<hbm>>) target_semaphore(%arg13 : memref<!tpu.dma_semaphore, #tpu.memory_space<semaphore_mem>>)
    %dma_wait3A_340 = arith.constant 0 : i32
    %dma_wait3A_341 = arith.constant 0 : i32
    %dma_wait3A_342 = arith.constant 0 : i32
    %dma_wait3A_343 = tpu.memref_slice %arg4[%select_n3A_48, %select_n3A_80, %dma_wait3A_340, %dma_wait3A_341, %dma_wait3A_342] : memref<8x8x3x256x256xf32, #tpu.memory_space<hbm>> -> memref<1x1x1x128x256xf32, #tpu.memory_space<hbm>>
    %dma_wait3A_344 = tpu.memref_squeeze %dma_wait3A_343 : memref<1x1x1x128x256xf32, #tpu.memory_space<hbm>> -> memref<128x256xf32, #tpu.memory_space<hbm>>
    %dma_wait3A_345 = arith.constant 0 : i32
    %dma_wait3A_346 = arith.constant 0 : i32
    %dma_wait3A_347 = tpu.memref_slice %arg4[%select_n3A_48, %select_n3A_80, %dma_wait3A_340, %dma_wait3A_345, %dma_wait3A_346] : memref<8x8x3x256x256xf32, #tpu.memory_space<hbm>> -> memref<1x1x1x128x256xf32, #tpu.memory_space<hbm>>
    %dma_wait3A_348 = tpu.memref_squeeze %dma_wait3A_347 : memref<1x1x1x128x256xf32, #tpu.memory_space<hbm>> -> memref<128x256xf32, #tpu.memory_space<hbm>>
    tpu.wait_dma2 semaphore(%arg13 : memref<!tpu.dma_semaphore, #tpu.memory_space<semaphore_mem>>) src(%arg6 : memref<128x256xf32, #tpu.memory_space<vmem>>) dst(%dma_wait3A_348 : memref<128x256xf32, #tpu.memory_space<hbm>>)
    %dma_start3A_349 = arith.constant 1 : i32
    %dma_start3A_350 = arith.constant 128 : i32
    %dma_start3A_351 = arith.constant 0 : i32
    %dma_start3A_352 = tpu.memref_slice %arg2[%select_n3A_48, %squeeze3A_6, %dma_start3A_349, %dma_start3A_350, %dma_start3A_351] : memref<8x16x3x256x256xf32, #tpu.memory_space<hbm>> -> memref<1x1x1x128x256xf32, #tpu.memory_space<hbm>>
    %dma_start3A_353 = tpu.memref_squeeze %dma_start3A_352 : memref<1x1x1x128x256xf32, #tpu.memory_space<hbm>> -> memref<128x256xf32, #tpu.memory_space<hbm>>
    %dma_start3A_354 = arith.constant 128 : i32
    %dma_start3A_355 = arith.constant 0 : i32
    %dma_start3A_356 = tpu.memref_slice %arg2[%select_n3A_48, %squeeze3A_6, %dma_start3A_349, %dma_start3A_354, %dma_start3A_355] : memref<8x16x3x256x256xf32, #tpu.memory_space<hbm>> -> memref<1x1x1x128x256xf32, #tpu.memory_space<hbm>>
    %dma_start3A_357 = tpu.memref_squeeze %dma_start3A_356 : memref<1x1x1x128x256xf32, #tpu.memory_space<hbm>> -> memref<128x256xf32, #tpu.memory_space<hbm>>
    tpu.enqueue_dma source(%dma_start3A_357 : memref<128x256xf32, #tpu.memory_space<hbm>>) target(%arg6 : memref<128x256xf32, #tpu.memory_space<vmem>>) target_semaphore(%arg10 : memref<!tpu.dma_semaphore, #tpu.memory_space<semaphore_mem>>)
    %dma_wait3A_358 = arith.constant 0 : i32
    %dma_wait3A_359 = arith.constant 128 : i32
    %dma_wait3A_360 = arith.constant 0 : i32
    %dma_wait3A_361 = tpu.memref_slice %arg2[%select_n3A_48, %squeeze3A_6, %dma_wait3A_358, %dma_wait3A_359, %dma_wait3A_360] : memref<8x16x3x256x256xf32, #tpu.memory_space<hbm>> -> memref<1x1x1x128x256xf32, #tpu.memory_space<hbm>>
    %dma_wait3A_362 = tpu.memref_squeeze %dma_wait3A_361 : memref<1x1x1x128x256xf32, #tpu.memory_space<hbm>> -> memref<128x256xf32, #tpu.memory_space<hbm>>
    %dma_wait3A_363 = arith.constant 128 : i32
    %dma_wait3A_364 = arith.constant 0 : i32
    %dma_wait3A_365 = tpu.memref_slice %arg2[%select_n3A_48, %squeeze3A_6, %dma_wait3A_358, %dma_wait3A_363, %dma_wait3A_364] : memref<8x16x3x256x256xf32, #tpu.memory_space<hbm>> -> memref<1x1x1x128x256xf32, #tpu.memory_space<hbm>>
    %dma_wait3A_366 = tpu.memref_squeeze %dma_wait3A_365 : memref<1x1x1x128x256xf32, #tpu.memory_space<hbm>> -> memref<128x256xf32, #tpu.memory_space<hbm>>
    tpu.wait_dma2 semaphore(%arg11 : memref<!tpu.dma_semaphore, #tpu.memory_space<semaphore_mem>>) src(%dma_wait3A_366 : memref<128x256xf32, #tpu.memory_space<hbm>>) dst(%arg7 : memref<128x256xf32, #tpu.memory_space<vmem>>)
    %dma_start3A_367 = arith.constant 0 : i32
    %dma_start3A_368 = arith.constant 128 : i32
    %dma_start3A_369 = arith.constant 0 : i32
    %dma_start3A_370 = tpu.memref_slice %arg4[%select_n3A_48, %select_n3A_80, %dma_start3A_367, %dma_start3A_368, %dma_start3A_369] : memref<8x8x3x256x256xf32, #tpu.memory_space<hbm>> -> memref<1x1x1x128x256xf32, #tpu.memory_space<hbm>>
    %dma_start3A_371 = tpu.memref_squeeze %dma_start3A_370 : memref<1x1x1x128x256xf32, #tpu.memory_space<hbm>> -> memref<128x256xf32, #tpu.memory_space<hbm>>
    %dma_start3A_372 = arith.constant 128 : i32
    %dma_start3A_373 = arith.constant 0 : i32
    %dma_start3A_374 = tpu.memref_slice %arg4[%select_n3A_48, %select_n3A_80, %dma_start3A_367, %dma_start3A_372, %dma_start3A_373] : memref<8x8x3x256x256xf32, #tpu.memory_space<hbm>> -> memref<1x1x1x128x256xf32, #tpu.memory_space<hbm>>
    %dma_start3A_375 = tpu.memref_squeeze %dma_start3A_374 : memref<1x1x1x128x256xf32, #tpu.memory_space<hbm>> -> memref<128x256xf32, #tpu.memory_space<hbm>>
    tpu.enqueue_dma source(%arg7 : memref<128x256xf32, #tpu.memory_space<vmem>>) target(%dma_start3A_375 : memref<128x256xf32, #tpu.memory_space<hbm>>) target_semaphore(%arg14 : memref<!tpu.dma_semaphore, #tpu.memory_space<semaphore_mem>>)
    %dma_wait3A_376 = arith.constant 0 : i32
    %dma_wait3A_377 = arith.constant 128 : i32
    %dma_wait3A_378 = arith.constant 0 : i32
    %dma_wait3A_379 = tpu.memref_slice %arg4[%select_n3A_48, %select_n3A_80, %dma_wait3A_376, %dma_wait3A_377, %dma_wait3A_378] : memref<8x8x3x256x256xf32, #tpu.memory_space<hbm>> -> memref<1x1x1x128x256xf32, #tpu.memory_space<hbm>>
    %dma_wait3A_380 = tpu.memref_squeeze %dma_wait3A_379 : memref<1x1x1x128x256xf32, #tpu.memory_space<hbm>> -> memref<128x256xf32, #tpu.memory_space<hbm>>
    %dma_wait3A_381 = arith.constant 128 : i32
    %dma_wait3A_382 = arith.constant 0 : i32
    %dma_wait3A_383 = tpu.memref_slice %arg4[%select_n3A_48, %select_n3A_80, %dma_wait3A_376, %dma_wait3A_381, %dma_wait3A_382] : memref<8x8x3x256x256xf32, #tpu.memory_space<hbm>> -> memref<1x1x1x128x256xf32, #tpu.memory_space<hbm>>
    %dma_wait3A_384 = tpu.memref_squeeze %dma_wait3A_383 : memref<1x1x1x128x256xf32, #tpu.memory_space<hbm>> -> memref<128x256xf32, #tpu.memory_space<hbm>>
    tpu.wait_dma2 semaphore(%arg14 : memref<!tpu.dma_semaphore, #tpu.memory_space<semaphore_mem>>) src(%arg7 : memref<128x256xf32, #tpu.memory_space<vmem>>) dst(%dma_wait3A_384 : memref<128x256xf32, #tpu.memory_space<hbm>>)
    %dma_start3A_385 = arith.constant 2 : i32
    %dma_start3A_386 = arith.constant 0 : i32
    %dma_start3A_387 = arith.constant 0 : i32
    %dma_start3A_388 = tpu.memref_slice %arg2[%select_n3A_48, %squeeze3A_6, %dma_start3A_385, %dma_start3A_386, %dma_start3A_387] : memref<8x16x3x256x256xf32, #tpu.memory_space<hbm>> -> memref<1x1x1x128x256xf32, #tpu.memory_space<hbm>>
    %dma_start3A_389 = tpu.memref_squeeze %dma_start3A_388 : memref<1x1x1x128x256xf32, #tpu.memory_space<hbm>> -> memref<128x256xf32, #tpu.memory_space<hbm>>
    %dma_start3A_390 = arith.constant 0 : i32
    %dma_start3A_391 = arith.constant 0 : i32
    %dma_start3A_392 = tpu.memref_slice %arg2[%select_n3A_48, %squeeze3A_6, %dma_start3A_385, %dma_start3A_390, %dma_start3A_391] : memref<8x16x3x256x256xf32, #tpu.memory_space<hbm>> -> memref<1x1x1x128x256xf32, #tpu.memory_space<hbm>>
    %dma_start3A_393 = tpu.memref_squeeze %dma_start3A_392 : memref<1x1x1x128x256xf32, #tpu.memory_space<hbm>> -> memref<128x256xf32, #tpu.memory_space<hbm>>
    tpu.enqueue_dma source(%dma_start3A_393 : memref<128x256xf32, #tpu.memory_space<hbm>>) target(%arg7 : memref<128x256xf32, #tpu.memory_space<vmem>>) target_semaphore(%arg11 : memref<!tpu.dma_semaphore, #tpu.memory_space<semaphore_mem>>)
    %dma_wait3A_394 = arith.constant 1 : i32
    %dma_wait3A_395 = arith.constant 0 : i32
    %dma_wait3A_396 = arith.constant 0 : i32
    %dma_wait3A_397 = tpu.memref_slice %arg2[%select_n3A_48, %squeeze3A_6, %dma_wait3A_394, %dma_wait3A_395, %dma_wait3A_396] : memref<8x16x3x256x256xf32, #tpu.memory_space<hbm>> -> memref<1x1x1x128x256xf32, #tpu.memory_space<hbm>>
    %dma_wait3A_398 = tpu.memref_squeeze %dma_wait3A_397 : memref<1x1x1x128x256xf32, #tpu.memory_space<hbm>> -> memref<128x256xf32, #tpu.memory_space<hbm>>
    %dma_wait3A_399 = arith.constant 0 : i32
    %dma_wait3A_400 = arith.constant 0 : i32
    %dma_wait3A_401 = tpu.memref_slice %arg2[%select_n3A_48, %squeeze3A_6, %dma_wait3A_394, %dma_wait3A_399, %dma_wait3A_400] : memref<8x16x3x256x256xf32, #tpu.memory_space<hbm>> -> memref<1x1x1x128x256xf32, #tpu.memory_space<hbm>>
    %dma_wait3A_402 = tpu.memref_squeeze %dma_wait3A_401 : memref<1x1x1x128x256xf32, #tpu.memory_space<hbm>> -> memref<128x256xf32, #tpu.memory_space<hbm>>
    tpu.wait_dma2 semaphore(%arg12 : memref<!tpu.dma_semaphore, #tpu.memory_space<semaphore_mem>>) src(%dma_wait3A_402 : memref<128x256xf32, #tpu.memory_space<hbm>>) dst(%arg8 : memref<128x256xf32, #tpu.memory_space<vmem>>)
    %dma_start3A_403 = arith.constant 1 : i32
    %dma_start3A_404 = arith.constant 0 : i32
    %dma_start3A_405 = arith.constant 0 : i32
    %dma_start3A_406 = tpu.memref_slice %arg4[%select_n3A_48, %select_n3A_80, %dma_start3A_403, %dma_start3A_404, %dma_start3A_405] : memref<8x8x3x256x256xf32, #tpu.memory_space<hbm>> -> memref<1x1x1x128x256xf32, #tpu.memory_space<hbm>>
    %dma_start3A_407 = tpu.memref_squeeze %dma_start3A_406 : memref<1x1x1x128x256xf32, #tpu.memory_space<hbm>> -> memref<128x256xf32, #tpu.memory_space<hbm>>
    %dma_start3A_408 = arith.constant 0 : i32
    %dma_start3A_409 = arith.constant 0 : i32
    %dma_start3A_410 = tpu.memref_slice %arg4[%select_n3A_48, %select_n3A_80, %dma_start3A_403, %dma_start3A_408, %dma_start3A_409] : memref<8x8x3x256x256xf32, #tpu.memory_space<hbm>> -> memref<1x1x1x128x256xf32, #tpu.memory_space<hbm>>
    %dma_start3A_411 = tpu.memref_squeeze %dma_start3A_410 : memref<1x1x1x128x256xf32, #tpu.memory_space<hbm>> -> memref<128x256xf32, #tpu.memory_space<hbm>>
    tpu.enqueue_dma source(%arg8 : memref<128x256xf32, #tpu.memory_space<vmem>>) target(%dma_start3A_411 : memref<128x256xf32, #tpu.memory_space<hbm>>) target_semaphore(%arg15 : memref<!tpu.dma_semaphore, #tpu.memory_space<semaphore_mem>>)
    %dma_wait3A_412 = arith.constant 1 : i32
    %dma_wait3A_413 = arith.constant 0 : i32
    %dma_wait3A_414 = arith.constant 0 : i32
    %dma_wait3A_415 = tpu.memref_slice %arg4[%select_n3A_48, %select_n3A_80, %dma_wait3A_412, %dma_wait3A_413, %dma_wait3A_414] : memref<8x8x3x256x256xf32, #tpu.memory_space<hbm>> -> memref<1x1x1x128x256xf32, #tpu.memory_space<hbm>>
    %dma_wait3A_416 = tpu.memref_squeeze %dma_wait3A_415 : memref<1x1x1x128x256xf32, #tpu.memory_space<hbm>> -> memref<128x256xf32, #tpu.memory_space<hbm>>
    %dma_wait3A_417 = arith.constant 0 : i32
    %dma_wait3A_418 = arith.constant 0 : i32
    %dma_wait3A_419 = tpu.memref_slice %arg4[%select_n3A_48, %select_n3A_80, %dma_wait3A_412, %dma_wait3A_417, %dma_wait3A_418] : memref<8x8x3x256x256xf32, #tpu.memory_space<hbm>> -> memref<1x1x1x128x256xf32, #tpu.memory_space<hbm>>
    %dma_wait3A_420 = tpu.memref_squeeze %dma_wait3A_419 : memref<1x1x1x128x256xf32, #tpu.memory_space<hbm>> -> memref<128x256xf32, #tpu.memory_space<hbm>>
    tpu.wait_dma2 semaphore(%arg15 : memref<!tpu.dma_semaphore, #tpu.memory_space<semaphore_mem>>) src(%arg8 : memref<128x256xf32, #tpu.memory_space<vmem>>) dst(%dma_wait3A_420 : memref<128x256xf32, #tpu.memory_space<hbm>>)
    %dma_start3A_421 = arith.constant 2 : i32
    %dma_start3A_422 = arith.constant 128 : i32
    %dma_start3A_423 = arith.constant 0 : i32
    %dma_start3A_424 = tpu.memref_slice %arg2[%select_n3A_48, %squeeze3A_6, %dma_start3A_421, %dma_start3A_422, %dma_start3A_423] : memref<8x16x3x256x256xf32, #tpu.memory_space<hbm>> -> memref<1x1x1x128x256xf32, #tpu.memory_space<hbm>>
    %dma_start3A_425 = tpu.memref_squeeze %dma_start3A_424 : memref<1x1x1x128x256xf32, #tpu.memory_space<hbm>> -> memref<128x256xf32, #tpu.memory_space<hbm>>
    %dma_start3A_426 = arith.constant 128 : i32
    %dma_start3A_427 = arith.constant 0 : i32
    %dma_start3A_428 = tpu.memref_slice %arg2[%select_n3A_48, %squeeze3A_6, %dma_start3A_421, %dma_start3A_426, %dma_start3A_427] : memref<8x16x3x256x256xf32, #tpu.memory_space<hbm>> -> memref<1x1x1x128x256xf32, #tpu.memory_space<hbm>>
    %dma_start3A_429 = tpu.memref_squeeze %dma_start3A_428 : memref<1x1x1x128x256xf32, #tpu.memory_space<hbm>> -> memref<128x256xf32, #tpu.memory_space<hbm>>
    tpu.enqueue_dma source(%dma_start3A_429 : memref<128x256xf32, #tpu.memory_space<hbm>>) target(%arg8 : memref<128x256xf32, #tpu.memory_space<vmem>>) target_semaphore(%arg12 : memref<!tpu.dma_semaphore, #tpu.memory_space<semaphore_mem>>)
    %dma_wait3A_430 = arith.constant 1 : i32
    %dma_wait3A_431 = arith.constant 128 : i32
    %dma_wait3A_432 = arith.constant 0 : i32
    %dma_wait3A_433 = tpu.memref_slice %arg2[%select_n3A_48, %squeeze3A_6, %dma_wait3A_430, %dma_wait3A_431, %dma_wait3A_432] : memref<8x16x3x256x256xf32, #tpu.memory_space<hbm>> -> memref<1x1x1x128x256xf32, #tpu.memory_space<hbm>>
    %dma_wait3A_434 = tpu.memref_squeeze %dma_wait3A_433 : memref<1x1x1x128x256xf32, #tpu.memory_space<hbm>> -> memref<128x256xf32, #tpu.memory_space<hbm>>
    %dma_wait3A_435 = arith.constant 128 : i32
    %dma_wait3A_436 = arith.constant 0 : i32
    %dma_wait3A_437 = tpu.memref_slice %arg2[%select_n3A_48, %squeeze3A_6, %dma_wait3A_430, %dma_wait3A_435, %dma_wait3A_436] : memref<8x16x3x256x256xf32, #tpu.memory_space<hbm>> -> memref<1x1x1x128x256xf32, #tpu.memory_space<hbm>>
    %dma_wait3A_438 = tpu.memref_squeeze %dma_wait3A_437 : memref<1x1x1x128x256xf32, #tpu.memory_space<hbm>> -> memref<128x256xf32, #tpu.memory_space<hbm>>
    tpu.wait_dma2 semaphore(%arg10 : memref<!tpu.dma_semaphore, #tpu.memory_space<semaphore_mem>>) src(%dma_wait3A_438 : memref<128x256xf32, #tpu.memory_space<hbm>>) dst(%arg6 : memref<128x256xf32, #tpu.memory_space<vmem>>)
    %dma_start3A_439 = arith.constant 1 : i32
    %dma_start3A_440 = arith.constant 128 : i32
    %dma_start3A_441 = arith.constant 0 : i32
    %dma_start3A_442 = tpu.memref_slice %arg4[%select_n3A_48, %select_n3A_80, %dma_start3A_439, %dma_start3A_440, %dma_start3A_441] : memref<8x8x3x256x256xf32, #tpu.memory_space<hbm>> -> memref<1x1x1x128x256xf32, #tpu.memory_space<hbm>>
    %dma_start3A_443 = tpu.memref_squeeze %dma_start3A_442 : memref<1x1x1x128x256xf32, #tpu.memory_space<hbm>> -> memref<128x256xf32, #tpu.memory_space<hbm>>
    %dma_start3A_444 = arith.constant 128 : i32
    %dma_start3A_445 = arith.constant 0 : i32
    %dma_start3A_446 = tpu.memref_slice %arg4[%select_n3A_48, %select_n3A_80, %dma_start3A_439, %dma_start3A_444, %dma_start3A_445] : memref<8x8x3x256x256xf32, #tpu.memory_space<hbm>> -> memref<1x1x1x128x256xf32, #tpu.memory_space<hbm>>
    %dma_start3A_447 = tpu.memref_squeeze %dma_start3A_446 : memref<1x1x1x128x256xf32, #tpu.memory_space<hbm>> -> memref<128x256xf32, #tpu.memory_space<hbm>>
    tpu.enqueue_dma source(%arg6 : memref<128x256xf32, #tpu.memory_space<vmem>>) target(%dma_start3A_447 : memref<128x256xf32, #tpu.memory_space<hbm>>) target_semaphore(%arg13 : memref<!tpu.dma_semaphore, #tpu.memory_space<semaphore_mem>>)
    %dma_wait3A_448 = arith.constant 2 : i32
    %dma_wait3A_449 = arith.constant 0 : i32
    %dma_wait3A_450 = arith.constant 0 : i32
    %dma_wait3A_451 = tpu.memref_slice %arg2[%select_n3A_48, %squeeze3A_6, %dma_wait3A_448, %dma_wait3A_449, %dma_wait3A_450] : memref<8x16x3x256x256xf32, #tpu.memory_space<hbm>> -> memref<1x1x1x128x256xf32, #tpu.memory_space<hbm>>
    %dma_wait3A_452 = tpu.memref_squeeze %dma_wait3A_451 : memref<1x1x1x128x256xf32, #tpu.memory_space<hbm>> -> memref<128x256xf32, #tpu.memory_space<hbm>>
    %dma_wait3A_453 = arith.constant 0 : i32
    %dma_wait3A_454 = arith.constant 0 : i32
    %dma_wait3A_455 = tpu.memref_slice %arg2[%select_n3A_48, %squeeze3A_6, %dma_wait3A_448, %dma_wait3A_453, %dma_wait3A_454] : memref<8x16x3x256x256xf32, #tpu.memory_space<hbm>> -> memref<1x1x1x128x256xf32, #tpu.memory_space<hbm>>
    %dma_wait3A_456 = tpu.memref_squeeze %dma_wait3A_455 : memref<1x1x1x128x256xf32, #tpu.memory_space<hbm>> -> memref<128x256xf32, #tpu.memory_space<hbm>>
    tpu.wait_dma2 semaphore(%arg11 : memref<!tpu.dma_semaphore, #tpu.memory_space<semaphore_mem>>) src(%dma_wait3A_456 : memref<128x256xf32, #tpu.memory_space<hbm>>) dst(%arg7 : memref<128x256xf32, #tpu.memory_space<vmem>>)
    %dma_start3A_457 = arith.constant 2 : i32
    %dma_start3A_458 = arith.constant 0 : i32
    %dma_start3A_459 = arith.constant 0 : i32
    %dma_start3A_460 = tpu.memref_slice %arg4[%select_n3A_48, %select_n3A_80, %dma_start3A_457, %dma_start3A_458, %dma_start3A_459] : memref<8x8x3x256x256xf32, #tpu.memory_space<hbm>> -> memref<1x1x1x128x256xf32, #tpu.memory_space<hbm>>
    %dma_start3A_461 = tpu.memref_squeeze %dma_start3A_460 : memref<1x1x1x128x256xf32, #tpu.memory_space<hbm>> -> memref<128x256xf32, #tpu.memory_space<hbm>>
    %dma_start3A_462 = arith.constant 0 : i32
    %dma_start3A_463 = arith.constant 0 : i32
    %dma_start3A_464 = tpu.memref_slice %arg4[%select_n3A_48, %select_n3A_80, %dma_start3A_457, %dma_start3A_462, %dma_start3A_463] : memref<8x8x3x256x256xf32, #tpu.memory_space<hbm>> -> memref<1x1x1x128x256xf32, #tpu.memory_space<hbm>>
    %dma_start3A_465 = tpu.memref_squeeze %dma_start3A_464 : memref<1x1x1x128x256xf32, #tpu.memory_space<hbm>> -> memref<128x256xf32, #tpu.memory_space<hbm>>
    tpu.enqueue_dma source(%arg7 : memref<128x256xf32, #tpu.memory_space<vmem>>) target(%dma_start3A_465 : memref<128x256xf32, #tpu.memory_space<hbm>>) target_semaphore(%arg14 : memref<!tpu.dma_semaphore, #tpu.memory_space<semaphore_mem>>)
    %dma_wait3A_466 = arith.constant 2 : i32
    %dma_wait3A_467 = arith.constant 128 : i32
    %dma_wait3A_468 = arith.constant 0 : i32
    %dma_wait3A_469 = tpu.memref_slice %arg2[%select_n3A_48, %squeeze3A_6, %dma_wait3A_466, %dma_wait3A_467, %dma_wait3A_468] : memref<8x16x3x256x256xf32, #tpu.memory_space<hbm>> -> memref<1x1x1x128x256xf32, #tpu.memory_space<hbm>>
    %dma_wait3A_470 = tpu.memref_squeeze %dma_wait3A_469 : memref<1x1x1x128x256xf32, #tpu.memory_space<hbm>> -> memref<128x256xf32, #tpu.memory_space<hbm>>
    %dma_wait3A_471 = arith.constant 128 : i32
    %dma_wait3A_472 = arith.constant 0 : i32
    %dma_wait3A_473 = tpu.memref_slice %arg2[%select_n3A_48, %squeeze3A_6, %dma_wait3A_466, %dma_wait3A_471, %dma_wait3A_472] : memref<8x16x3x256x256xf32, #tpu.memory_space<hbm>> -> memref<1x1x1x128x256xf32, #tpu.memory_space<hbm>>
    %dma_wait3A_474 = tpu.memref_squeeze %dma_wait3A_473 : memref<1x1x1x128x256xf32, #tpu.memory_space<hbm>> -> memref<128x256xf32, #tpu.memory_space<hbm>>
    tpu.wait_dma2 semaphore(%arg12 : memref<!tpu.dma_semaphore, #tpu.memory_space<semaphore_mem>>) src(%dma_wait3A_474 : memref<128x256xf32, #tpu.memory_space<hbm>>) dst(%arg8 : memref<128x256xf32, #tpu.memory_space<vmem>>)
    %dma_start3A_475 = arith.constant 2 : i32
    %dma_start3A_476 = arith.constant 128 : i32
    %dma_start3A_477 = arith.constant 0 : i32
    %dma_start3A_478 = tpu.memref_slice %arg4[%select_n3A_48, %select_n3A_80, %dma_start3A_475, %dma_start3A_476, %dma_start3A_477] : memref<8x8x3x256x256xf32, #tpu.memory_space<hbm>> -> memref<1x1x1x128x256xf32, #tpu.memory_space<hbm>>
    %dma_start3A_479 = tpu.memref_squeeze %dma_start3A_478 : memref<1x1x1x128x256xf32, #tpu.memory_space<hbm>> -> memref<128x256xf32, #tpu.memory_space<hbm>>
    %dma_start3A_480 = arith.constant 128 : i32
    %dma_start3A_481 = arith.constant 0 : i32
    %dma_start3A_482 = tpu.memref_slice %arg4[%select_n3A_48, %select_n3A_80, %dma_start3A_475, %dma_start3A_480, %dma_start3A_481] : memref<8x8x3x256x256xf32, #tpu.memory_space<hbm>> -> memref<1x1x1x128x256xf32, #tpu.memory_space<hbm>>
    %dma_start3A_483 = tpu.memref_squeeze %dma_start3A_482 : memref<1x1x1x128x256xf32, #tpu.memory_space<hbm>> -> memref<128x256xf32, #tpu.memory_space<hbm>>
    tpu.enqueue_dma source(%arg8 : memref<128x256xf32, #tpu.memory_space<vmem>>) target(%dma_start3A_483 : memref<128x256xf32, #tpu.memory_space<hbm>>) target_semaphore(%arg15 : memref<!tpu.dma_semaphore, #tpu.memory_space<semaphore_mem>>)
    %dma_wait3A_484 = arith.constant 1 : i32
    %dma_wait3A_485 = arith.constant 128 : i32
    %dma_wait3A_486 = arith.constant 0 : i32
    %dma_wait3A_487 = tpu.memref_slice %arg4[%select_n3A_48, %select_n3A_80, %dma_wait3A_484, %dma_wait3A_485, %dma_wait3A_486] : memref<8x8x3x256x256xf32, #tpu.memory_space<hbm>> -> memref<1x1x1x128x256xf32, #tpu.memory_space<hbm>>
    %dma_wait3A_488 = tpu.memref_squeeze %dma_wait3A_487 : memref<1x1x1x128x256xf32, #tpu.memory_space<hbm>> -> memref<128x256xf32, #tpu.memory_space<hbm>>
    %dma_wait3A_489 = arith.constant 128 : i32
    %dma_wait3A_490 = arith.constant 0 : i32
    %dma_wait3A_491 = tpu.memref_slice %arg4[%select_n3A_48, %select_n3A_80, %dma_wait3A_484, %dma_wait3A_489, %dma_wait3A_490] : memref<8x8x3x256x256xf32, #tpu.memory_space<hbm>> -> memref<1x1x1x128x256xf32, #tpu.memory_space<hbm>>
    %dma_wait3A_492 = tpu.memref_squeeze %dma_wait3A_491 : memref<1x1x1x128x256xf32, #tpu.memory_space<hbm>> -> memref<128x256xf32, #tpu.memory_space<hbm>>
    tpu.wait_dma2 semaphore(%arg13 : memref<!tpu.dma_semaphore, #tpu.memory_space<semaphore_mem>>) src(%arg6 : memref<128x256xf32, #tpu.memory_space<vmem>>) dst(%dma_wait3A_492 : memref<128x256xf32, #tpu.memory_space<hbm>>)
    %dma_wait3A_493 = arith.constant 2 : i32
    %dma_wait3A_494 = arith.constant 0 : i32
    %dma_wait3A_495 = arith.constant 0 : i32
    %dma_wait3A_496 = tpu.memref_slice %arg4[%select_n3A_48, %select_n3A_80, %dma_wait3A_493, %dma_wait3A_494, %dma_wait3A_495] : memref<8x8x3x256x256xf32, #tpu.memory_space<hbm>> -> memref<1x1x1x128x256xf32, #tpu.memory_space<hbm>>
    %dma_wait3A_497 = tpu.memref_squeeze %dma_wait3A_496 : memref<1x1x1x128x256xf32, #tpu.memory_space<hbm>> -> memref<128x256xf32, #tpu.memory_space<hbm>>
    %dma_wait3A_498 = arith.constant 0 : i32
    %dma_wait3A_499 = arith.constant 0 : i32
    %dma_wait3A_500 = tpu.memref_slice %arg4[%select_n3A_48, %select_n3A_80, %dma_wait3A_493, %dma_wait3A_498, %dma_wait3A_499] : memref<8x8x3x256x256xf32, #tpu.memory_space<hbm>> -> memref<1x1x1x128x256xf32, #tpu.memory_space<hbm>>
    %dma_wait3A_501 = tpu.memref_squeeze %dma_wait3A_500 : memref<1x1x1x128x256xf32, #tpu.memory_space<hbm>> -> memref<128x256xf32, #tpu.memory_space<hbm>>
    tpu.wait_dma2 semaphore(%arg14 : memref<!tpu.dma_semaphore, #tpu.memory_space<semaphore_mem>>) src(%arg7 : memref<128x256xf32, #tpu.memory_space<vmem>>) dst(%dma_wait3A_501 : memref<128x256xf32, #tpu.memory_space<hbm>>)
    %dma_wait3A_502 = arith.constant 2 : i32
    %dma_wait3A_503 = arith.constant 128 : i32
    %dma_wait3A_504 = arith.constant 0 : i32
    %dma_wait3A_505 = tpu.memref_slice %arg4[%select_n3A_48, %select_n3A_80, %dma_wait3A_502, %dma_wait3A_503, %dma_wait3A_504] : memref<8x8x3x256x256xf32, #tpu.memory_space<hbm>> -> memref<1x1x1x128x256xf32, #tpu.memory_space<hbm>>
    %dma_wait3A_506 = tpu.memref_squeeze %dma_wait3A_505 : memref<1x1x1x128x256xf32, #tpu.memory_space<hbm>> -> memref<128x256xf32, #tpu.memory_space<hbm>>
    %dma_wait3A_507 = arith.constant 128 : i32
    %dma_wait3A_508 = arith.constant 0 : i32
    %dma_wait3A_509 = tpu.memref_slice %arg4[%select_n3A_48, %select_n3A_80, %dma_wait3A_502, %dma_wait3A_507, %dma_wait3A_508] : memref<8x8x3x256x256xf32, #tpu.memory_space<hbm>> -> memref<1x1x1x128x256xf32, #tpu.memory_space<hbm>>
    %dma_wait3A_510 = tpu.memref_squeeze %dma_wait3A_509 : memref<1x1x1x128x256xf32, #tpu.memory_space<hbm>> -> memref<128x256xf32, #tpu.memory_space<hbm>>
    tpu.wait_dma2 semaphore(%arg15 : memref<!tpu.dma_semaphore, #tpu.memory_space<semaphore_mem>>) src(%arg8 : memref<128x256xf32, #tpu.memory_space<vmem>>) dst(%dma_wait3A_510 : memref<128x256xf32, #tpu.memory_space<hbm>>)
    return
  }
}

module attributes {stable_mosaic.version = 14 : i64} {
  func.func @body(%arg0: i32, %arg1: memref<64xi32, #tpu.memory_space<smem>>, %arg2: memref<1x1x3x256x256xf32, #tpu.memory_space<vmem>>, %arg3: memref<8x16x4x4xf32, #tpu.memory_space<vmem>>, %arg4: memref<1x1x3x256x256xf32, #tpu.memory_space<vmem>>, %arg5: memref<8x4x4x4xf32, #tpu.memory_space<vmem>>, %arg6: memref<8x8x4x4xf32, #tpu.memory_space<vmem>>) attributes {dimension_semantics = [#tpu.dimension_semantics<arbitrary>], iteration_bounds = array<i64: 32>, scalar_prefetch = 0 : i64, scratch_operands = 0 : i64, tpu.core_type = #tpu.core_type<tc>, window_params = [{transform_indices = @transform_0, window_bounds = array<i64: 64>}, {transform_indices = @transform_1, window_bounds = array<i64: 1, 1, 3, 256, 256>}, {pipeline_mode = #tpu.pipeline_mode<synchronous>, transform_indices = @transform_2, window_bounds = array<i64: 8, 16, 4, 4>}, {transform_indices = @transform_3, window_bounds = array<i64: 1, 1, 3, 256, 256>}, {pipeline_mode = #tpu.pipeline_mode<synchronous>, transform_indices = @transform_4, window_bounds = array<i64: 8, 4, 4, 4>}, {pipeline_mode = #tpu.pipeline_mode<synchronous>, transform_indices = @transform_5, window_bounds = array<i64: 8, 8, 4, 4>}]} {
    %get3A = arith.constant 0 : index
    %get3A_0 = arith.constant 0 : index
    %get3A_1 = arith.constant 0 : index
    %get3A_2 = arith.constant 0 : index
    %get3A_3 = arith.constant 0 : index
    %get3A_4 = vector.load %arg2[%get3A, %get3A_0, %get3A_1, %get3A_2, %get3A_3] : memref<1x1x3x256x256xf32, #tpu.memory_space<vmem>>, vector<1x1x3x256x256xf32>
    %swap3A = arith.constant 0 : index
    %swap3A_5 = arith.constant 0 : index
    %swap3A_6 = arith.constant 0 : index
    %swap3A_7 = arith.constant 0 : index
    %swap3A_8 = arith.constant 0 : index
    %swap3A_9 = vector.load %arg4[%swap3A, %swap3A_5, %swap3A_6, %swap3A_7, %swap3A_8] : memref<1x1x3x256x256xf32, #tpu.memory_space<vmem>>, vector<1x1x3x256x256xf32>
    tpu.vector_store %arg4[%swap3A, %swap3A_5, %swap3A_6, %swap3A_7, %swap3A_8], %get3A_4 {strides = array<i32>} : memref<1x1x3x256x256xf32, #tpu.memory_space<vmem>>, vector<1x1x3x256x256xf32>,
    %eq3A = arith.constant 0 : i32
    %eq3A_10 = arith.cmpi eq, %arg0, %eq3A : i32
    %convert_element_type3A = arith.extui %eq3A_10 : i1 to i32
    %cond3A = arith.constant 0 : i32
    %cond3A_11 = arith.cmpi ne, %convert_element_type3A, %cond3A : i32
    scf.if %cond3A_11 {
      %get3A_12 = arith.constant 0 : index
      %get3A_13 = arith.constant 0 : index
      %get3A_14 = arith.constant 0 : index
      %get3A_15 = arith.constant 0 : index
      %get3A_16 = vector.load %arg3[%get3A_12, %get3A_13, %get3A_14, %get3A_15] : memref<8x16x4x4xf32, #tpu.memory_space<vmem>>, vector<8x4x4x4xf32>
      %swap3A_17 = arith.constant 0 : index
      %swap3A_18 = arith.constant 0 : index
      %swap3A_19 = arith.constant 0 : index
      %swap3A_20 = arith.constant 0 : index
      %swap3A_21 = vector.load %arg5[%swap3A_17, %swap3A_18, %swap3A_19, %swap3A_20] : memref<8x4x4x4xf32, #tpu.memory_space<vmem>>, vector<8x4x4x4xf32>
      tpu.vector_store %arg5[%swap3A_17, %swap3A_18, %swap3A_19, %swap3A_20], %get3A_16 {strides = array<i32>} : memref<8x4x4x4xf32, #tpu.memory_space<vmem>>, vector<8x4x4x4xf32>,
      %get3A_22 = arith.constant 0 : index
      %get3A_23 = memref.load %arg1[%get3A_22] : memref<64xi32, #tpu.memory_space<smem>>
      %get3A_24 = arith.constant 0 : index
      %get3A_25 = arith.index_cast %get3A_23 : i32 to index
      %get3A_26 = arith.constant 0 : index
      %get3A_27 = arith.constant 0 : index
      %get3A_28 = vector.load %arg3[%get3A_24, %get3A_25, %get3A_26, %get3A_27] : memref<8x16x4x4xf32, #tpu.memory_space<vmem>>, vector<1x1x4x4xf32>
      %get3A_29 = vector.shape_cast %get3A_28 : vector<1x1x4x4xf32> to vector<4x4xf32>
      %swap3A_30 = arith.constant 0 : index
      %swap3A_31 = arith.constant 0 : index
      %swap3A_32 = arith.constant 0 : index
      %swap3A_33 = arith.constant 0 : index
      %swap3A_34 = vector.load %arg6[%swap3A_30, %swap3A_31, %swap3A_32, %swap3A_33] : memref<8x8x4x4xf32, #tpu.memory_space<vmem>>, vector<1x1x4x4xf32>
      %swap3A_35 = vector.shape_cast %swap3A_34 : vector<1x1x4x4xf32> to vector<4x4xf32>
      %swap3A_36 = vector.shape_cast %get3A_29 : vector<4x4xf32> to vector<1x1x4x4xf32>
      tpu.vector_store %arg6[%swap3A_30, %swap3A_31, %swap3A_32, %swap3A_33], %swap3A_36 {strides = array<i32>} : memref<8x8x4x4xf32, #tpu.memory_space<vmem>>, vector<1x1x4x4xf32>,
      %get3A_37 = arith.constant 1 : index
      %get3A_38 = memref.load %arg1[%get3A_37] : memref<64xi32, #tpu.memory_space<smem>>
      %get3A_39 = arith.constant 0 : index
      %get3A_40 = arith.index_cast %get3A_38 : i32 to index
      %get3A_41 = arith.constant 0 : index
      %get3A_42 = arith.constant 0 : index
      %get3A_43 = vector.load %arg3[%get3A_39, %get3A_40, %get3A_41, %get3A_42] : memref<8x16x4x4xf32, #tpu.memory_space<vmem>>, vector<1x1x4x4xf32>
      %get3A_44 = vector.shape_cast %get3A_43 : vector<1x1x4x4xf32> to vector<4x4xf32>
      %swap3A_45 = arith.constant 0 : index
      %swap3A_46 = arith.constant 1 : index
      %swap3A_47 = arith.constant 0 : index
      %swap3A_48 = arith.constant 0 : index
      %swap3A_49 = vector.load %arg6[%swap3A_45, %swap3A_46, %swap3A_47, %swap3A_48] : memref<8x8x4x4xf32, #tpu.memory_space<vmem>>, vector<1x1x4x4xf32>
      %swap3A_50 = vector.shape_cast %swap3A_49 : vector<1x1x4x4xf32> to vector<4x4xf32>
      %swap3A_51 = vector.shape_cast %get3A_44 : vector<4x4xf32> to vector<1x1x4x4xf32>
      tpu.vector_store %arg6[%swap3A_45, %swap3A_46, %swap3A_47, %swap3A_48], %swap3A_51 {strides = array<i32>} : memref<8x8x4x4xf32, #tpu.memory_space<vmem>>, vector<1x1x4x4xf32>,
      %get3A_52 = arith.constant 2 : index
      %get3A_53 = memref.load %arg1[%get3A_52] : memref<64xi32, #tpu.memory_space<smem>>
      %get3A_54 = arith.constant 0 : index
      %get3A_55 = arith.index_cast %get3A_53 : i32 to index
      %get3A_56 = arith.constant 0 : index
      %get3A_57 = arith.constant 0 : index
      %get3A_58 = vector.load %arg3[%get3A_54, %get3A_55, %get3A_56, %get3A_57] : memref<8x16x4x4xf32, #tpu.memory_space<vmem>>, vector<1x1x4x4xf32>
      %get3A_59 = vector.shape_cast %get3A_58 : vector<1x1x4x4xf32> to vector<4x4xf32>
      %swap3A_60 = arith.constant 0 : index
      %swap3A_61 = arith.constant 2 : index
      %swap3A_62 = arith.constant 0 : index
      %swap3A_63 = arith.constant 0 : index
      %swap3A_64 = vector.load %arg6[%swap3A_60, %swap3A_61, %swap3A_62, %swap3A_63] : memref<8x8x4x4xf32, #tpu.memory_space<vmem>>, vector<1x1x4x4xf32>
      %swap3A_65 = vector.shape_cast %swap3A_64 : vector<1x1x4x4xf32> to vector<4x4xf32>
      %swap3A_66 = vector.shape_cast %get3A_59 : vector<4x4xf32> to vector<1x1x4x4xf32>
      tpu.vector_store %arg6[%swap3A_60, %swap3A_61, %swap3A_62, %swap3A_63], %swap3A_66 {strides = array<i32>} : memref<8x8x4x4xf32, #tpu.memory_space<vmem>>, vector<1x1x4x4xf32>,
      %get3A_67 = arith.constant 3 : index
      %get3A_68 = memref.load %arg1[%get3A_67] : memref<64xi32, #tpu.memory_space<smem>>
      %get3A_69 = arith.constant 0 : index
      %get3A_70 = arith.index_cast %get3A_68 : i32 to index
      %get3A_71 = arith.constant 0 : index
      %get3A_72 = arith.constant 0 : index
      %get3A_73 = vector.load %arg3[%get3A_69, %get3A_70, %get3A_71, %get3A_72] : memref<8x16x4x4xf32, #tpu.memory_space<vmem>>, vector<1x1x4x4xf32>
      %get3A_74 = vector.shape_cast %get3A_73 : vector<1x1x4x4xf32> to vector<4x4xf32>
      %swap3A_75 = arith.constant 0 : index
      %swap3A_76 = arith.constant 3 : index
      %swap3A_77 = arith.constant 0 : index
      %swap3A_78 = arith.constant 0 : index
      %swap3A_79 = vector.load %arg6[%swap3A_75, %swap3A_76, %swap3A_77, %swap3A_78] : memref<8x8x4x4xf32, #tpu.memory_space<vmem>>, vector<1x1x4x4xf32>
      %swap3A_80 = vector.shape_cast %swap3A_79 : vector<1x1x4x4xf32> to vector<4x4xf32>
      %swap3A_81 = vector.shape_cast %get3A_74 : vector<4x4xf32> to vector<1x1x4x4xf32>
      tpu.vector_store %arg6[%swap3A_75, %swap3A_76, %swap3A_77, %swap3A_78], %swap3A_81 {strides = array<i32>} : memref<8x8x4x4xf32, #tpu.memory_space<vmem>>, vector<1x1x4x4xf32>,
      %get3A_82 = arith.constant 4 : index
      %get3A_83 = memref.load %arg1[%get3A_82] : memref<64xi32, #tpu.memory_space<smem>>
      %get3A_84 = arith.constant 0 : index
      %get3A_85 = arith.index_cast %get3A_83 : i32 to index
      %get3A_86 = arith.constant 0 : index
      %get3A_87 = arith.constant 0 : index
      %get3A_88 = vector.load %arg3[%get3A_84, %get3A_85, %get3A_86, %get3A_87] : memref<8x16x4x4xf32, #tpu.memory_space<vmem>>, vector<1x1x4x4xf32>
      %get3A_89 = vector.shape_cast %get3A_88 : vector<1x1x4x4xf32> to vector<4x4xf32>
      %swap3A_90 = arith.constant 0 : index
      %swap3A_91 = arith.constant 4 : index
      %swap3A_92 = arith.constant 0 : index
      %swap3A_93 = arith.constant 0 : index
      %swap3A_94 = vector.load %arg6[%swap3A_90, %swap3A_91, %swap3A_92, %swap3A_93] : memref<8x8x4x4xf32, #tpu.memory_space<vmem>>, vector<1x1x4x4xf32>
      %swap3A_95 = vector.shape_cast %swap3A_94 : vector<1x1x4x4xf32> to vector<4x4xf32>
      %swap3A_96 = vector.shape_cast %get3A_89 : vector<4x4xf32> to vector<1x1x4x4xf32>
      tpu.vector_store %arg6[%swap3A_90, %swap3A_91, %swap3A_92, %swap3A_93], %swap3A_96 {strides = array<i32>} : memref<8x8x4x4xf32, #tpu.memory_space<vmem>>, vector<1x1x4x4xf32>,
      %get3A_97 = arith.constant 5 : index
      %get3A_98 = memref.load %arg1[%get3A_97] : memref<64xi32, #tpu.memory_space<smem>>
      %get3A_99 = arith.constant 0 : index
      %get3A_100 = arith.index_cast %get3A_98 : i32 to index
      %get3A_101 = arith.constant 0 : index
      %get3A_102 = arith.constant 0 : index
      %get3A_103 = vector.load %arg3[%get3A_99, %get3A_100, %get3A_101, %get3A_102] : memref<8x16x4x4xf32, #tpu.memory_space<vmem>>, vector<1x1x4x4xf32>
      %get3A_104 = vector.shape_cast %get3A_103 : vector<1x1x4x4xf32> to vector<4x4xf32>
      %swap3A_105 = arith.constant 0 : index
      %swap3A_106 = arith.constant 5 : index
      %swap3A_107 = arith.constant 0 : index
      %swap3A_108 = arith.constant 0 : index
      %swap3A_109 = vector.load %arg6[%swap3A_105, %swap3A_106, %swap3A_107, %swap3A_108] : memref<8x8x4x4xf32, #tpu.memory_space<vmem>>, vector<1x1x4x4xf32>
      %swap3A_110 = vector.shape_cast %swap3A_109 : vector<1x1x4x4xf32> to vector<4x4xf32>
      %swap3A_111 = vector.shape_cast %get3A_104 : vector<4x4xf32> to vector<1x1x4x4xf32>
      tpu.vector_store %arg6[%swap3A_105, %swap3A_106, %swap3A_107, %swap3A_108], %swap3A_111 {strides = array<i32>} : memref<8x8x4x4xf32, #tpu.memory_space<vmem>>, vector<1x1x4x4xf32>,
      %get3A_112 = arith.constant 6 : index
      %get3A_113 = memref.load %arg1[%get3A_112] : memref<64xi32, #tpu.memory_space<smem>>
      %get3A_114 = arith.constant 0 : index
      %get3A_115 = arith.index_cast %get3A_113 : i32 to index
      %get3A_116 = arith.constant 0 : index
      %get3A_117 = arith.constant 0 : index
      %get3A_118 = vector.load %arg3[%get3A_114, %get3A_115, %get3A_116, %get3A_117] : memref<8x16x4x4xf32, #tpu.memory_space<vmem>>, vector<1x1x4x4xf32>
      %get3A_119 = vector.shape_cast %get3A_118 : vector<1x1x4x4xf32> to vector<4x4xf32>
      %swap3A_120 = arith.constant 0 : index
      %swap3A_121 = arith.constant 6 : index
      %swap3A_122 = arith.constant 0 : index
      %swap3A_123 = arith.constant 0 : index
      %swap3A_124 = vector.load %arg6[%swap3A_120, %swap3A_121, %swap3A_122, %swap3A_123] : memref<8x8x4x4xf32, #tpu.memory_space<vmem>>, vector<1x1x4x4xf32>
      %swap3A_125 = vector.shape_cast %swap3A_124 : vector<1x1x4x4xf32> to vector<4x4xf32>
      %swap3A_126 = vector.shape_cast %get3A_119 : vector<4x4xf32> to vector<1x1x4x4xf32>
      tpu.vector_store %arg6[%swap3A_120, %swap3A_121, %swap3A_122, %swap3A_123], %swap3A_126 {strides = array<i32>} : memref<8x8x4x4xf32, #tpu.memory_space<vmem>>, vector<1x1x4x4xf32>,
      %get3A_127 = arith.constant 7 : index
      %get3A_128 = memref.load %arg1[%get3A_127] : memref<64xi32, #tpu.memory_space<smem>>
      %get3A_129 = arith.constant 0 : index
      %get3A_130 = arith.index_cast %get3A_128 : i32 to index
      %get3A_131 = arith.constant 0 : index
      %get3A_132 = arith.constant 0 : index
      %get3A_133 = vector.load %arg3[%get3A_129, %get3A_130, %get3A_131, %get3A_132] : memref<8x16x4x4xf32, #tpu.memory_space<vmem>>, vector<1x1x4x4xf32>
      %get3A_134 = vector.shape_cast %get3A_133 : vector<1x1x4x4xf32> to vector<4x4xf32>
      %swap3A_135 = arith.constant 0 : index
      %swap3A_136 = arith.constant 7 : index
      %swap3A_137 = arith.constant 0 : index
      %swap3A_138 = arith.constant 0 : index
      %swap3A_139 = vector.load %arg6[%swap3A_135, %swap3A_136, %swap3A_137, %swap3A_138] : memref<8x8x4x4xf32, #tpu.memory_space<vmem>>, vector<1x1x4x4xf32>
      %swap3A_140 = vector.shape_cast %swap3A_139 : vector<1x1x4x4xf32> to vector<4x4xf32>
      %swap3A_141 = vector.shape_cast %get3A_134 : vector<4x4xf32> to vector<1x1x4x4xf32>
      tpu.vector_store %arg6[%swap3A_135, %swap3A_136, %swap3A_137, %swap3A_138], %swap3A_141 {strides = array<i32>} : memref<8x8x4x4xf32, #tpu.memory_space<vmem>>, vector<1x1x4x4xf32>,
      %get3A_142 = arith.constant 8 : index
      %get3A_143 = memref.load %arg1[%get3A_142] : memref<64xi32, #tpu.memory_space<smem>>
      %get3A_144 = arith.constant 1 : index
      %get3A_145 = arith.index_cast %get3A_143 : i32 to index
      %get3A_146 = arith.constant 0 : index
      %get3A_147 = arith.constant 0 : index
      %get3A_148 = vector.load %arg3[%get3A_144, %get3A_145, %get3A_146, %get3A_147] : memref<8x16x4x4xf32, #tpu.memory_space<vmem>>, vector<1x1x4x4xf32>
      %get3A_149 = vector.shape_cast %get3A_148 : vector<1x1x4x4xf32> to vector<4x4xf32>
      %swap3A_150 = arith.constant 1 : index
      %swap3A_151 = arith.constant 0 : index
      %swap3A_152 = arith.constant 0 : index
      %swap3A_153 = arith.constant 0 : index
      %swap3A_154 = vector.load %arg6[%swap3A_150, %swap3A_151, %swap3A_152, %swap3A_153] : memref<8x8x4x4xf32, #tpu.memory_space<vmem>>, vector<1x1x4x4xf32>
      %swap3A_155 = vector.shape_cast %swap3A_154 : vector<1x1x4x4xf32> to vector<4x4xf32>
      %swap3A_156 = vector.shape_cast %get3A_149 : vector<4x4xf32> to vector<1x1x4x4xf32>
      tpu.vector_store %arg6[%swap3A_150, %swap3A_151, %swap3A_152, %swap3A_153], %swap3A_156 {strides = array<i32>} : memref<8x8x4x4xf32, #tpu.memory_space<vmem>>, vector<1x1x4x4xf32>,
      %get3A_157 = arith.constant 9 : index
      %get3A_158 = memref.load %arg1[%get3A_157] : memref<64xi32, #tpu.memory_space<smem>>
      %get3A_159 = arith.constant 1 : index
      %get3A_160 = arith.index_cast %get3A_158 : i32 to index
      %get3A_161 = arith.constant 0 : index
      %get3A_162 = arith.constant 0 : index
      %get3A_163 = vector.load %arg3[%get3A_159, %get3A_160, %get3A_161, %get3A_162] : memref<8x16x4x4xf32, #tpu.memory_space<vmem>>, vector<1x1x4x4xf32>
      %get3A_164 = vector.shape_cast %get3A_163 : vector<1x1x4x4xf32> to vector<4x4xf32>
      %swap3A_165 = arith.constant 1 : index
      %swap3A_166 = arith.constant 1 : index
      %swap3A_167 = arith.constant 0 : index
      %swap3A_168 = arith.constant 0 : index
      %swap3A_169 = vector.load %arg6[%swap3A_165, %swap3A_166, %swap3A_167, %swap3A_168] : memref<8x8x4x4xf32, #tpu.memory_space<vmem>>, vector<1x1x4x4xf32>
      %swap3A_170 = vector.shape_cast %swap3A_169 : vector<1x1x4x4xf32> to vector<4x4xf32>
      %swap3A_171 = vector.shape_cast %get3A_164 : vector<4x4xf32> to vector<1x1x4x4xf32>
      tpu.vector_store %arg6[%swap3A_165, %swap3A_166, %swap3A_167, %swap3A_168], %swap3A_171 {strides = array<i32>} : memref<8x8x4x4xf32, #tpu.memory_space<vmem>>, vector<1x1x4x4xf32>,
      %get3A_172 = arith.constant 10 : index
      %get3A_173 = memref.load %arg1[%get3A_172] : memref<64xi32, #tpu.memory_space<smem>>
      %get3A_174 = arith.constant 1 : index
      %get3A_175 = arith.index_cast %get3A_173 : i32 to index
      %get3A_176 = arith.constant 0 : index
      %get3A_177 = arith.constant 0 : index
      %get3A_178 = vector.load %arg3[%get3A_174, %get3A_175, %get3A_176, %get3A_177] : memref<8x16x4x4xf32, #tpu.memory_space<vmem>>, vector<1x1x4x4xf32>
      %get3A_179 = vector.shape_cast %get3A_178 : vector<1x1x4x4xf32> to vector<4x4xf32>
      %swap3A_180 = arith.constant 1 : index
      %swap3A_181 = arith.constant 2 : index
      %swap3A_182 = arith.constant 0 : index
      %swap3A_183 = arith.constant 0 : index
      %swap3A_184 = vector.load %arg6[%swap3A_180, %swap3A_181, %swap3A_182, %swap3A_183] : memref<8x8x4x4xf32, #tpu.memory_space<vmem>>, vector<1x1x4x4xf32>
      %swap3A_185 = vector.shape_cast %swap3A_184 : vector<1x1x4x4xf32> to vector<4x4xf32>
      %swap3A_186 = vector.shape_cast %get3A_179 : vector<4x4xf32> to vector<1x1x4x4xf32>
      tpu.vector_store %arg6[%swap3A_180, %swap3A_181, %swap3A_182, %swap3A_183], %swap3A_186 {strides = array<i32>} : memref<8x8x4x4xf32, #tpu.memory_space<vmem>>, vector<1x1x4x4xf32>,
      %get3A_187 = arith.constant 11 : index
      %get3A_188 = memref.load %arg1[%get3A_187] : memref<64xi32, #tpu.memory_space<smem>>
      %get3A_189 = arith.constant 1 : index
      %get3A_190 = arith.index_cast %get3A_188 : i32 to index
      %get3A_191 = arith.constant 0 : index
      %get3A_192 = arith.constant 0 : index
      %get3A_193 = vector.load %arg3[%get3A_189, %get3A_190, %get3A_191, %get3A_192] : memref<8x16x4x4xf32, #tpu.memory_space<vmem>>, vector<1x1x4x4xf32>
      %get3A_194 = vector.shape_cast %get3A_193 : vector<1x1x4x4xf32> to vector<4x4xf32>
      %swap3A_195 = arith.constant 1 : index
      %swap3A_196 = arith.constant 3 : index
      %swap3A_197 = arith.constant 0 : index
      %swap3A_198 = arith.constant 0 : index
      %swap3A_199 = vector.load %arg6[%swap3A_195, %swap3A_196, %swap3A_197, %swap3A_198] : memref<8x8x4x4xf32, #tpu.memory_space<vmem>>, vector<1x1x4x4xf32>
      %swap3A_200 = vector.shape_cast %swap3A_199 : vector<1x1x4x4xf32> to vector<4x4xf32>
      %swap3A_201 = vector.shape_cast %get3A_194 : vector<4x4xf32> to vector<1x1x4x4xf32>
      tpu.vector_store %arg6[%swap3A_195, %swap3A_196, %swap3A_197, %swap3A_198], %swap3A_201 {strides = array<i32>} : memref<8x8x4x4xf32, #tpu.memory_space<vmem>>, vector<1x1x4x4xf32>,
      %get3A_202 = arith.constant 12 : index
      %get3A_203 = memref.load %arg1[%get3A_202] : memref<64xi32, #tpu.memory_space<smem>>
      %get3A_204 = arith.constant 1 : index
      %get3A_205 = arith.index_cast %get3A_203 : i32 to index
      %get3A_206 = arith.constant 0 : index
      %get3A_207 = arith.constant 0 : index
      %get3A_208 = vector.load %arg3[%get3A_204, %get3A_205, %get3A_206, %get3A_207] : memref<8x16x4x4xf32, #tpu.memory_space<vmem>>, vector<1x1x4x4xf32>
      %get3A_209 = vector.shape_cast %get3A_208 : vector<1x1x4x4xf32> to vector<4x4xf32>
      %swap3A_210 = arith.constant 1 : index
      %swap3A_211 = arith.constant 4 : index
      %swap3A_212 = arith.constant 0 : index
      %swap3A_213 = arith.constant 0 : index
      %swap3A_214 = vector.load %arg6[%swap3A_210, %swap3A_211, %swap3A_212, %swap3A_213] : memref<8x8x4x4xf32, #tpu.memory_space<vmem>>, vector<1x1x4x4xf32>
      %swap3A_215 = vector.shape_cast %swap3A_214 : vector<1x1x4x4xf32> to vector<4x4xf32>
      %swap3A_216 = vector.shape_cast %get3A_209 : vector<4x4xf32> to vector<1x1x4x4xf32>
      tpu.vector_store %arg6[%swap3A_210, %swap3A_211, %swap3A_212, %swap3A_213], %swap3A_216 {strides = array<i32>} : memref<8x8x4x4xf32, #tpu.memory_space<vmem>>, vector<1x1x4x4xf32>,
      %get3A_217 = arith.constant 13 : index
      %get3A_218 = memref.load %arg1[%get3A_217] : memref<64xi32, #tpu.memory_space<smem>>
      %get3A_219 = arith.constant 1 : index
      %get3A_220 = arith.index_cast %get3A_218 : i32 to index
      %get3A_221 = arith.constant 0 : index
      %get3A_222 = arith.constant 0 : index
      %get3A_223 = vector.load %arg3[%get3A_219, %get3A_220, %get3A_221, %get3A_222] : memref<8x16x4x4xf32, #tpu.memory_space<vmem>>, vector<1x1x4x4xf32>
      %get3A_224 = vector.shape_cast %get3A_223 : vector<1x1x4x4xf32> to vector<4x4xf32>
      %swap3A_225 = arith.constant 1 : index
      %swap3A_226 = arith.constant 5 : index
      %swap3A_227 = arith.constant 0 : index
      %swap3A_228 = arith.constant 0 : index
      %swap3A_229 = vector.load %arg6[%swap3A_225, %swap3A_226, %swap3A_227, %swap3A_228] : memref<8x8x4x4xf32, #tpu.memory_space<vmem>>, vector<1x1x4x4xf32>
      %swap3A_230 = vector.shape_cast %swap3A_229 : vector<1x1x4x4xf32> to vector<4x4xf32>
      %swap3A_231 = vector.shape_cast %get3A_224 : vector<4x4xf32> to vector<1x1x4x4xf32>
      tpu.vector_store %arg6[%swap3A_225, %swap3A_226, %swap3A_227, %swap3A_228], %swap3A_231 {strides = array<i32>} : memref<8x8x4x4xf32, #tpu.memory_space<vmem>>, vector<1x1x4x4xf32>,
      %get3A_232 = arith.constant 14 : index
      %get3A_233 = memref.load %arg1[%get3A_232] : memref<64xi32, #tpu.memory_space<smem>>
      %get3A_234 = arith.constant 1 : index
      %get3A_235 = arith.index_cast %get3A_233 : i32 to index
      %get3A_236 = arith.constant 0 : index
      %get3A_237 = arith.constant 0 : index
      %get3A_238 = vector.load %arg3[%get3A_234, %get3A_235, %get3A_236, %get3A_237] : memref<8x16x4x4xf32, #tpu.memory_space<vmem>>, vector<1x1x4x4xf32>
      %get3A_239 = vector.shape_cast %get3A_238 : vector<1x1x4x4xf32> to vector<4x4xf32>
      %swap3A_240 = arith.constant 1 : index
      %swap3A_241 = arith.constant 6 : index
      %swap3A_242 = arith.constant 0 : index
      %swap3A_243 = arith.constant 0 : index
      %swap3A_244 = vector.load %arg6[%swap3A_240, %swap3A_241, %swap3A_242, %swap3A_243] : memref<8x8x4x4xf32, #tpu.memory_space<vmem>>, vector<1x1x4x4xf32>
      %swap3A_245 = vector.shape_cast %swap3A_244 : vector<1x1x4x4xf32> to vector<4x4xf32>
      %swap3A_246 = vector.shape_cast %get3A_239 : vector<4x4xf32> to vector<1x1x4x4xf32>
      tpu.vector_store %arg6[%swap3A_240, %swap3A_241, %swap3A_242, %swap3A_243], %swap3A_246 {strides = array<i32>} : memref<8x8x4x4xf32, #tpu.memory_space<vmem>>, vector<1x1x4x4xf32>,
      %get3A_247 = arith.constant 15 : index
      %get3A_248 = memref.load %arg1[%get3A_247] : memref<64xi32, #tpu.memory_space<smem>>
      %get3A_249 = arith.constant 1 : index
      %get3A_250 = arith.index_cast %get3A_248 : i32 to index
      %get3A_251 = arith.constant 0 : index
      %get3A_252 = arith.constant 0 : index
      %get3A_253 = vector.load %arg3[%get3A_249, %get3A_250, %get3A_251, %get3A_252] : memref<8x16x4x4xf32, #tpu.memory_space<vmem>>, vector<1x1x4x4xf32>
      %get3A_254 = vector.shape_cast %get3A_253 : vector<1x1x4x4xf32> to vector<4x4xf32>
      %swap3A_255 = arith.constant 1 : index
      %swap3A_256 = arith.constant 7 : index
      %swap3A_257 = arith.constant 0 : index
      %swap3A_258 = arith.constant 0 : index
      %swap3A_259 = vector.load %arg6[%swap3A_255, %swap3A_256, %swap3A_257, %swap3A_258] : memref<8x8x4x4xf32, #tpu.memory_space<vmem>>, vector<1x1x4x4xf32>
      %swap3A_260 = vector.shape_cast %swap3A_259 : vector<1x1x4x4xf32> to vector<4x4xf32>
      %swap3A_261 = vector.shape_cast %get3A_254 : vector<4x4xf32> to vector<1x1x4x4xf32>
      tpu.vector_store %arg6[%swap3A_255, %swap3A_256, %swap3A_257, %swap3A_258], %swap3A_261 {strides = array<i32>} : memref<8x8x4x4xf32, #tpu.memory_space<vmem>>, vector<1x1x4x4xf32>,
      %get3A_262 = arith.constant 16 : index
      %get3A_263 = memref.load %arg1[%get3A_262] : memref<64xi32, #tpu.memory_space<smem>>
      %get3A_264 = arith.constant 2 : index
      %get3A_265 = arith.index_cast %get3A_263 : i32 to index
      %get3A_266 = arith.constant 0 : index
      %get3A_267 = arith.constant 0 : index
      %get3A_268 = vector.load %arg3[%get3A_264, %get3A_265, %get3A_266, %get3A_267] : memref<8x16x4x4xf32, #tpu.memory_space<vmem>>, vector<1x1x4x4xf32>
      %get3A_269 = vector.shape_cast %get3A_268 : vector<1x1x4x4xf32> to vector<4x4xf32>
      %swap3A_270 = arith.constant 2 : index
      %swap3A_271 = arith.constant 0 : index
      %swap3A_272 = arith.constant 0 : index
      %swap3A_273 = arith.constant 0 : index
      %swap3A_274 = vector.load %arg6[%swap3A_270, %swap3A_271, %swap3A_272, %swap3A_273] : memref<8x8x4x4xf32, #tpu.memory_space<vmem>>, vector<1x1x4x4xf32>
      %swap3A_275 = vector.shape_cast %swap3A_274 : vector<1x1x4x4xf32> to vector<4x4xf32>
      %swap3A_276 = vector.shape_cast %get3A_269 : vector<4x4xf32> to vector<1x1x4x4xf32>
      tpu.vector_store %arg6[%swap3A_270, %swap3A_271, %swap3A_272, %swap3A_273], %swap3A_276 {strides = array<i32>} : memref<8x8x4x4xf32, #tpu.memory_space<vmem>>, vector<1x1x4x4xf32>,
      %get3A_277 = arith.constant 17 : index
      %get3A_278 = memref.load %arg1[%get3A_277] : memref<64xi32, #tpu.memory_space<smem>>
      %get3A_279 = arith.constant 2 : index
      %get3A_280 = arith.index_cast %get3A_278 : i32 to index
      %get3A_281 = arith.constant 0 : index
      %get3A_282 = arith.constant 0 : index
      %get3A_283 = vector.load %arg3[%get3A_279, %get3A_280, %get3A_281, %get3A_282] : memref<8x16x4x4xf32, #tpu.memory_space<vmem>>, vector<1x1x4x4xf32>
      %get3A_284 = vector.shape_cast %get3A_283 : vector<1x1x4x4xf32> to vector<4x4xf32>
      %swap3A_285 = arith.constant 2 : index
      %swap3A_286 = arith.constant 1 : index
      %swap3A_287 = arith.constant 0 : index
      %swap3A_288 = arith.constant 0 : index
      %swap3A_289 = vector.load %arg6[%swap3A_285, %swap3A_286, %swap3A_287, %swap3A_288] : memref<8x8x4x4xf32, #tpu.memory_space<vmem>>, vector<1x1x4x4xf32>
      %swap3A_290 = vector.shape_cast %swap3A_289 : vector<1x1x4x4xf32> to vector<4x4xf32>
      %swap3A_291 = vector.shape_cast %get3A_284 : vector<4x4xf32> to vector<1x1x4x4xf32>
      tpu.vector_store %arg6[%swap3A_285, %swap3A_286, %swap3A_287, %swap3A_288], %swap3A_291 {strides = array<i32>} : memref<8x8x4x4xf32, #tpu.memory_space<vmem>>, vector<1x1x4x4xf32>,
      %get3A_292 = arith.constant 18 : index
      %get3A_293 = memref.load %arg1[%get3A_292] : memref<64xi32, #tpu.memory_space<smem>>
      %get3A_294 = arith.constant 2 : index
      %get3A_295 = arith.index_cast %get3A_293 : i32 to index
      %get3A_296 = arith.constant 0 : index
      %get3A_297 = arith.constant 0 : index
      %get3A_298 = vector.load %arg3[%get3A_294, %get3A_295, %get3A_296, %get3A_297] : memref<8x16x4x4xf32, #tpu.memory_space<vmem>>, vector<1x1x4x4xf32>
      %get3A_299 = vector.shape_cast %get3A_298 : vector<1x1x4x4xf32> to vector<4x4xf32>
      %swap3A_300 = arith.constant 2 : index
      %swap3A_301 = arith.constant 2 : index
      %swap3A_302 = arith.constant 0 : index
      %swap3A_303 = arith.constant 0 : index
      %swap3A_304 = vector.load %arg6[%swap3A_300, %swap3A_301, %swap3A_302, %swap3A_303] : memref<8x8x4x4xf32, #tpu.memory_space<vmem>>, vector<1x1x4x4xf32>
      %swap3A_305 = vector.shape_cast %swap3A_304 : vector<1x1x4x4xf32> to vector<4x4xf32>
      %swap3A_306 = vector.shape_cast %get3A_299 : vector<4x4xf32> to vector<1x1x4x4xf32>
      tpu.vector_store %arg6[%swap3A_300, %swap3A_301, %swap3A_302, %swap3A_303], %swap3A_306 {strides = array<i32>} : memref<8x8x4x4xf32, #tpu.memory_space<vmem>>, vector<1x1x4x4xf32>,
      %get3A_307 = arith.constant 19 : index
      %get3A_308 = memref.load %arg1[%get3A_307] : memref<64xi32, #tpu.memory_space<smem>>
      %get3A_309 = arith.constant 2 : index
      %get3A_310 = arith.index_cast %get3A_308 : i32 to index
      %get3A_311 = arith.constant 0 : index
      %get3A_312 = arith.constant 0 : index
      %get3A_313 = vector.load %arg3[%get3A_309, %get3A_310, %get3A_311, %get3A_312] : memref<8x16x4x4xf32, #tpu.memory_space<vmem>>, vector<1x1x4x4xf32>
      %get3A_314 = vector.shape_cast %get3A_313 : vector<1x1x4x4xf32> to vector<4x4xf32>
      %swap3A_315 = arith.constant 2 : index
      %swap3A_316 = arith.constant 3 : index
      %swap3A_317 = arith.constant 0 : index
      %swap3A_318 = arith.constant 0 : index
      %swap3A_319 = vector.load %arg6[%swap3A_315, %swap3A_316, %swap3A_317, %swap3A_318] : memref<8x8x4x4xf32, #tpu.memory_space<vmem>>, vector<1x1x4x4xf32>
      %swap3A_320 = vector.shape_cast %swap3A_319 : vector<1x1x4x4xf32> to vector<4x4xf32>
      %swap3A_321 = vector.shape_cast %get3A_314 : vector<4x4xf32> to vector<1x1x4x4xf32>
      tpu.vector_store %arg6[%swap3A_315, %swap3A_316, %swap3A_317, %swap3A_318], %swap3A_321 {strides = array<i32>} : memref<8x8x4x4xf32, #tpu.memory_space<vmem>>, vector<1x1x4x4xf32>,
      %get3A_322 = arith.constant 20 : index
      %get3A_323 = memref.load %arg1[%get3A_322] : memref<64xi32, #tpu.memory_space<smem>>
      %get3A_324 = arith.constant 2 : index
      %get3A_325 = arith.index_cast %get3A_323 : i32 to index
      %get3A_326 = arith.constant 0 : index
      %get3A_327 = arith.constant 0 : index
      %get3A_328 = vector.load %arg3[%get3A_324, %get3A_325, %get3A_326, %get3A_327] : memref<8x16x4x4xf32, #tpu.memory_space<vmem>>, vector<1x1x4x4xf32>
      %get3A_329 = vector.shape_cast %get3A_328 : vector<1x1x4x4xf32> to vector<4x4xf32>
      %swap3A_330 = arith.constant 2 : index
      %swap3A_331 = arith.constant 4 : index
      %swap3A_332 = arith.constant 0 : index
      %swap3A_333 = arith.constant 0 : index
      %swap3A_334 = vector.load %arg6[%swap3A_330, %swap3A_331, %swap3A_332, %swap3A_333] : memref<8x8x4x4xf32, #tpu.memory_space<vmem>>, vector<1x1x4x4xf32>
      %swap3A_335 = vector.shape_cast %swap3A_334 : vector<1x1x4x4xf32> to vector<4x4xf32>
      %swap3A_336 = vector.shape_cast %get3A_329 : vector<4x4xf32> to vector<1x1x4x4xf32>
      tpu.vector_store %arg6[%swap3A_330, %swap3A_331, %swap3A_332, %swap3A_333], %swap3A_336 {strides = array<i32>} : memref<8x8x4x4xf32, #tpu.memory_space<vmem>>, vector<1x1x4x4xf32>,
      %get3A_337 = arith.constant 21 : index
      %get3A_338 = memref.load %arg1[%get3A_337] : memref<64xi32, #tpu.memory_space<smem>>
      %get3A_339 = arith.constant 2 : index
      %get3A_340 = arith.index_cast %get3A_338 : i32 to index
      %get3A_341 = arith.constant 0 : index
      %get3A_342 = arith.constant 0 : index
      %get3A_343 = vector.load %arg3[%get3A_339, %get3A_340, %get3A_341, %get3A_342] : memref<8x16x4x4xf32, #tpu.memory_space<vmem>>, vector<1x1x4x4xf32>
      %get3A_344 = vector.shape_cast %get3A_343 : vector<1x1x4x4xf32> to vector<4x4xf32>
      %swap3A_345 = arith.constant 2 : index
      %swap3A_346 = arith.constant 5 : index
      %swap3A_347 = arith.constant 0 : index
      %swap3A_348 = arith.constant 0 : index
      %swap3A_349 = vector.load %arg6[%swap3A_345, %swap3A_346, %swap3A_347, %swap3A_348] : memref<8x8x4x4xf32, #tpu.memory_space<vmem>>, vector<1x1x4x4xf32>
      %swap3A_350 = vector.shape_cast %swap3A_349 : vector<1x1x4x4xf32> to vector<4x4xf32>
      %swap3A_351 = vector.shape_cast %get3A_344 : vector<4x4xf32> to vector<1x1x4x4xf32>
      tpu.vector_store %arg6[%swap3A_345, %swap3A_346, %swap3A_347, %swap3A_348], %swap3A_351 {strides = array<i32>} : memref<8x8x4x4xf32, #tpu.memory_space<vmem>>, vector<1x1x4x4xf32>,
      %get3A_352 = arith.constant 22 : index
      %get3A_353 = memref.load %arg1[%get3A_352] : memref<64xi32, #tpu.memory_space<smem>>
      %get3A_354 = arith.constant 2 : index
      %get3A_355 = arith.index_cast %get3A_353 : i32 to index
      %get3A_356 = arith.constant 0 : index
      %get3A_357 = arith.constant 0 : index
      %get3A_358 = vector.load %arg3[%get3A_354, %get3A_355, %get3A_356, %get3A_357] : memref<8x16x4x4xf32, #tpu.memory_space<vmem>>, vector<1x1x4x4xf32>
      %get3A_359 = vector.shape_cast %get3A_358 : vector<1x1x4x4xf32> to vector<4x4xf32>
      %swap3A_360 = arith.constant 2 : index
      %swap3A_361 = arith.constant 6 : index
      %swap3A_362 = arith.constant 0 : index
      %swap3A_363 = arith.constant 0 : index
      %swap3A_364 = vector.load %arg6[%swap3A_360, %swap3A_361, %swap3A_362, %swap3A_363] : memref<8x8x4x4xf32, #tpu.memory_space<vmem>>, vector<1x1x4x4xf32>
      %swap3A_365 = vector.shape_cast %swap3A_364 : vector<1x1x4x4xf32> to vector<4x4xf32>
      %swap3A_366 = vector.shape_cast %get3A_359 : vector<4x4xf32> to vector<1x1x4x4xf32>
      tpu.vector_store %arg6[%swap3A_360, %swap3A_361, %swap3A_362, %swap3A_363], %swap3A_366 {strides = array<i32>} : memref<8x8x4x4xf32, #tpu.memory_space<vmem>>, vector<1x1x4x4xf32>,
      %get3A_367 = arith.constant 23 : index
      %get3A_368 = memref.load %arg1[%get3A_367] : memref<64xi32, #tpu.memory_space<smem>>
      %get3A_369 = arith.constant 2 : index
      %get3A_370 = arith.index_cast %get3A_368 : i32 to index
      %get3A_371 = arith.constant 0 : index
      %get3A_372 = arith.constant 0 : index
      %get3A_373 = vector.load %arg3[%get3A_369, %get3A_370, %get3A_371, %get3A_372] : memref<8x16x4x4xf32, #tpu.memory_space<vmem>>, vector<1x1x4x4xf32>
      %get3A_374 = vector.shape_cast %get3A_373 : vector<1x1x4x4xf32> to vector<4x4xf32>
      %swap3A_375 = arith.constant 2 : index
      %swap3A_376 = arith.constant 7 : index
      %swap3A_377 = arith.constant 0 : index
      %swap3A_378 = arith.constant 0 : index
      %swap3A_379 = vector.load %arg6[%swap3A_375, %swap3A_376, %swap3A_377, %swap3A_378] : memref<8x8x4x4xf32, #tpu.memory_space<vmem>>, vector<1x1x4x4xf32>
      %swap3A_380 = vector.shape_cast %swap3A_379 : vector<1x1x4x4xf32> to vector<4x4xf32>
      %swap3A_381 = vector.shape_cast %get3A_374 : vector<4x4xf32> to vector<1x1x4x4xf32>
      tpu.vector_store %arg6[%swap3A_375, %swap3A_376, %swap3A_377, %swap3A_378], %swap3A_381 {strides = array<i32>} : memref<8x8x4x4xf32, #tpu.memory_space<vmem>>, vector<1x1x4x4xf32>,
      %get3A_382 = arith.constant 24 : index
      %get3A_383 = memref.load %arg1[%get3A_382] : memref<64xi32, #tpu.memory_space<smem>>
      %get3A_384 = arith.constant 3 : index
      %get3A_385 = arith.index_cast %get3A_383 : i32 to index
      %get3A_386 = arith.constant 0 : index
      %get3A_387 = arith.constant 0 : index
      %get3A_388 = vector.load %arg3[%get3A_384, %get3A_385, %get3A_386, %get3A_387] : memref<8x16x4x4xf32, #tpu.memory_space<vmem>>, vector<1x1x4x4xf32>
      %get3A_389 = vector.shape_cast %get3A_388 : vector<1x1x4x4xf32> to vector<4x4xf32>
      %swap3A_390 = arith.constant 3 : index
      %swap3A_391 = arith.constant 0 : index
      %swap3A_392 = arith.constant 0 : index
      %swap3A_393 = arith.constant 0 : index
      %swap3A_394 = vector.load %arg6[%swap3A_390, %swap3A_391, %swap3A_392, %swap3A_393] : memref<8x8x4x4xf32, #tpu.memory_space<vmem>>, vector<1x1x4x4xf32>
      %swap3A_395 = vector.shape_cast %swap3A_394 : vector<1x1x4x4xf32> to vector<4x4xf32>
      %swap3A_396 = vector.shape_cast %get3A_389 : vector<4x4xf32> to vector<1x1x4x4xf32>
      tpu.vector_store %arg6[%swap3A_390, %swap3A_391, %swap3A_392, %swap3A_393], %swap3A_396 {strides = array<i32>} : memref<8x8x4x4xf32, #tpu.memory_space<vmem>>, vector<1x1x4x4xf32>,
      %get3A_397 = arith.constant 25 : index
      %get3A_398 = memref.load %arg1[%get3A_397] : memref<64xi32, #tpu.memory_space<smem>>
      %get3A_399 = arith.constant 3 : index
      %get3A_400 = arith.index_cast %get3A_398 : i32 to index
      %get3A_401 = arith.constant 0 : index
      %get3A_402 = arith.constant 0 : index
      %get3A_403 = vector.load %arg3[%get3A_399, %get3A_400, %get3A_401, %get3A_402] : memref<8x16x4x4xf32, #tpu.memory_space<vmem>>, vector<1x1x4x4xf32>
      %get3A_404 = vector.shape_cast %get3A_403 : vector<1x1x4x4xf32> to vector<4x4xf32>
      %swap3A_405 = arith.constant 3 : index
      %swap3A_406 = arith.constant 1 : index
      %swap3A_407 = arith.constant 0 : index
      %swap3A_408 = arith.constant 0 : index
      %swap3A_409 = vector.load %arg6[%swap3A_405, %swap3A_406, %swap3A_407, %swap3A_408] : memref<8x8x4x4xf32, #tpu.memory_space<vmem>>, vector<1x1x4x4xf32>
      %swap3A_410 = vector.shape_cast %swap3A_409 : vector<1x1x4x4xf32> to vector<4x4xf32>
      %swap3A_411 = vector.shape_cast %get3A_404 : vector<4x4xf32> to vector<1x1x4x4xf32>
      tpu.vector_store %arg6[%swap3A_405, %swap3A_406, %swap3A_407, %swap3A_408], %swap3A_411 {strides = array<i32>} : memref<8x8x4x4xf32, #tpu.memory_space<vmem>>, vector<1x1x4x4xf32>,
      %get3A_412 = arith.constant 26 : index
      %get3A_413 = memref.load %arg1[%get3A_412] : memref<64xi32, #tpu.memory_space<smem>>
      %get3A_414 = arith.constant 3 : index
      %get3A_415 = arith.index_cast %get3A_413 : i32 to index
      %get3A_416 = arith.constant 0 : index
      %get3A_417 = arith.constant 0 : index
      %get3A_418 = vector.load %arg3[%get3A_414, %get3A_415, %get3A_416, %get3A_417] : memref<8x16x4x4xf32, #tpu.memory_space<vmem>>, vector<1x1x4x4xf32>
      %get3A_419 = vector.shape_cast %get3A_418 : vector<1x1x4x4xf32> to vector<4x4xf32>
      %swap3A_420 = arith.constant 3 : index
      %swap3A_421 = arith.constant 2 : index
      %swap3A_422 = arith.constant 0 : index
      %swap3A_423 = arith.constant 0 : index
      %swap3A_424 = vector.load %arg6[%swap3A_420, %swap3A_421, %swap3A_422, %swap3A_423] : memref<8x8x4x4xf32, #tpu.memory_space<vmem>>, vector<1x1x4x4xf32>
      %swap3A_425 = vector.shape_cast %swap3A_424 : vector<1x1x4x4xf32> to vector<4x4xf32>
      %swap3A_426 = vector.shape_cast %get3A_419 : vector<4x4xf32> to vector<1x1x4x4xf32>
      tpu.vector_store %arg6[%swap3A_420, %swap3A_421, %swap3A_422, %swap3A_423], %swap3A_426 {strides = array<i32>} : memref<8x8x4x4xf32, #tpu.memory_space<vmem>>, vector<1x1x4x4xf32>,
      %get3A_427 = arith.constant 27 : index
      %get3A_428 = memref.load %arg1[%get3A_427] : memref<64xi32, #tpu.memory_space<smem>>
      %get3A_429 = arith.constant 3 : index
      %get3A_430 = arith.index_cast %get3A_428 : i32 to index
      %get3A_431 = arith.constant 0 : index
      %get3A_432 = arith.constant 0 : index
      %get3A_433 = vector.load %arg3[%get3A_429, %get3A_430, %get3A_431, %get3A_432] : memref<8x16x4x4xf32, #tpu.memory_space<vmem>>, vector<1x1x4x4xf32>
      %get3A_434 = vector.shape_cast %get3A_433 : vector<1x1x4x4xf32> to vector<4x4xf32>
      %swap3A_435 = arith.constant 3 : index
      %swap3A_436 = arith.constant 3 : index
      %swap3A_437 = arith.constant 0 : index
      %swap3A_438 = arith.constant 0 : index
      %swap3A_439 = vector.load %arg6[%swap3A_435, %swap3A_436, %swap3A_437, %swap3A_438] : memref<8x8x4x4xf32, #tpu.memory_space<vmem>>, vector<1x1x4x4xf32>
      %swap3A_440 = vector.shape_cast %swap3A_439 : vector<1x1x4x4xf32> to vector<4x4xf32>
      %swap3A_441 = vector.shape_cast %get3A_434 : vector<4x4xf32> to vector<1x1x4x4xf32>
      tpu.vector_store %arg6[%swap3A_435, %swap3A_436, %swap3A_437, %swap3A_438], %swap3A_441 {strides = array<i32>} : memref<8x8x4x4xf32, #tpu.memory_space<vmem>>, vector<1x1x4x4xf32>,
      %get3A_442 = arith.constant 28 : index
      %get3A_443 = memref.load %arg1[%get3A_442] : memref<64xi32, #tpu.memory_space<smem>>
      %get3A_444 = arith.constant 3 : index
      %get3A_445 = arith.index_cast %get3A_443 : i32 to index
      %get3A_446 = arith.constant 0 : index
      %get3A_447 = arith.constant 0 : index
      %get3A_448 = vector.load %arg3[%get3A_444, %get3A_445, %get3A_446, %get3A_447] : memref<8x16x4x4xf32, #tpu.memory_space<vmem>>, vector<1x1x4x4xf32>
      %get3A_449 = vector.shape_cast %get3A_448 : vector<1x1x4x4xf32> to vector<4x4xf32>
      %swap3A_450 = arith.constant 3 : index
      %swap3A_451 = arith.constant 4 : index
      %swap3A_452 = arith.constant 0 : index
      %swap3A_453 = arith.constant 0 : index
      %swap3A_454 = vector.load %arg6[%swap3A_450, %swap3A_451, %swap3A_452, %swap3A_453] : memref<8x8x4x4xf32, #tpu.memory_space<vmem>>, vector<1x1x4x4xf32>
      %swap3A_455 = vector.shape_cast %swap3A_454 : vector<1x1x4x4xf32> to vector<4x4xf32>
      %swap3A_456 = vector.shape_cast %get3A_449 : vector<4x4xf32> to vector<1x1x4x4xf32>
      tpu.vector_store %arg6[%swap3A_450, %swap3A_451, %swap3A_452, %swap3A_453], %swap3A_456 {strides = array<i32>} : memref<8x8x4x4xf32, #tpu.memory_space<vmem>>, vector<1x1x4x4xf32>,
      %get3A_457 = arith.constant 29 : index
      %get3A_458 = memref.load %arg1[%get3A_457] : memref<64xi32, #tpu.memory_space<smem>>
      %get3A_459 = arith.constant 3 : index
      %get3A_460 = arith.index_cast %get3A_458 : i32 to index
      %get3A_461 = arith.constant 0 : index
      %get3A_462 = arith.constant 0 : index
      %get3A_463 = vector.load %arg3[%get3A_459, %get3A_460, %get3A_461, %get3A_462] : memref<8x16x4x4xf32, #tpu.memory_space<vmem>>, vector<1x1x4x4xf32>
      %get3A_464 = vector.shape_cast %get3A_463 : vector<1x1x4x4xf32> to vector<4x4xf32>
      %swap3A_465 = arith.constant 3 : index
      %swap3A_466 = arith.constant 5 : index
      %swap3A_467 = arith.constant 0 : index
      %swap3A_468 = arith.constant 0 : index
      %swap3A_469 = vector.load %arg6[%swap3A_465, %swap3A_466, %swap3A_467, %swap3A_468] : memref<8x8x4x4xf32, #tpu.memory_space<vmem>>, vector<1x1x4x4xf32>
      %swap3A_470 = vector.shape_cast %swap3A_469 : vector<1x1x4x4xf32> to vector<4x4xf32>
      %swap3A_471 = vector.shape_cast %get3A_464 : vector<4x4xf32> to vector<1x1x4x4xf32>
      tpu.vector_store %arg6[%swap3A_465, %swap3A_466, %swap3A_467, %swap3A_468], %swap3A_471 {strides = array<i32>} : memref<8x8x4x4xf32, #tpu.memory_space<vmem>>, vector<1x1x4x4xf32>,
      %get3A_472 = arith.constant 30 : index
      %get3A_473 = memref.load %arg1[%get3A_472] : memref<64xi32, #tpu.memory_space<smem>>
      %get3A_474 = arith.constant 3 : index
      %get3A_475 = arith.index_cast %get3A_473 : i32 to index
      %get3A_476 = arith.constant 0 : index
      %get3A_477 = arith.constant 0 : index
      %get3A_478 = vector.load %arg3[%get3A_474, %get3A_475, %get3A_476, %get3A_477] : memref<8x16x4x4xf32, #tpu.memory_space<vmem>>, vector<1x1x4x4xf32>
      %get3A_479 = vector.shape_cast %get3A_478 : vector<1x1x4x4xf32> to vector<4x4xf32>
      %swap3A_480 = arith.constant 3 : index
      %swap3A_481 = arith.constant 6 : index
      %swap3A_482 = arith.constant 0 : index
      %swap3A_483 = arith.constant 0 : index
      %swap3A_484 = vector.load %arg6[%swap3A_480, %swap3A_481, %swap3A_482, %swap3A_483] : memref<8x8x4x4xf32, #tpu.memory_space<vmem>>, vector<1x1x4x4xf32>
      %swap3A_485 = vector.shape_cast %swap3A_484 : vector<1x1x4x4xf32> to vector<4x4xf32>
      %swap3A_486 = vector.shape_cast %get3A_479 : vector<4x4xf32> to vector<1x1x4x4xf32>
      tpu.vector_store %arg6[%swap3A_480, %swap3A_481, %swap3A_482, %swap3A_483], %swap3A_486 {strides = array<i32>} : memref<8x8x4x4xf32, #tpu.memory_space<vmem>>, vector<1x1x4x4xf32>,
      %get3A_487 = arith.constant 31 : index
      %get3A_488 = memref.load %arg1[%get3A_487] : memref<64xi32, #tpu.memory_space<smem>>
      %get3A_489 = arith.constant 3 : index
      %get3A_490 = arith.index_cast %get3A_488 : i32 to index
      %get3A_491 = arith.constant 0 : index
      %get3A_492 = arith.constant 0 : index
      %get3A_493 = vector.load %arg3[%get3A_489, %get3A_490, %get3A_491, %get3A_492] : memref<8x16x4x4xf32, #tpu.memory_space<vmem>>, vector<1x1x4x4xf32>
      %get3A_494 = vector.shape_cast %get3A_493 : vector<1x1x4x4xf32> to vector<4x4xf32>
      %swap3A_495 = arith.constant 3 : index
      %swap3A_496 = arith.constant 7 : index
      %swap3A_497 = arith.constant 0 : index
      %swap3A_498 = arith.constant 0 : index
      %swap3A_499 = vector.load %arg6[%swap3A_495, %swap3A_496, %swap3A_497, %swap3A_498] : memref<8x8x4x4xf32, #tpu.memory_space<vmem>>, vector<1x1x4x4xf32>
      %swap3A_500 = vector.shape_cast %swap3A_499 : vector<1x1x4x4xf32> to vector<4x4xf32>
      %swap3A_501 = vector.shape_cast %get3A_494 : vector<4x4xf32> to vector<1x1x4x4xf32>
      tpu.vector_store %arg6[%swap3A_495, %swap3A_496, %swap3A_497, %swap3A_498], %swap3A_501 {strides = array<i32>} : memref<8x8x4x4xf32, #tpu.memory_space<vmem>>, vector<1x1x4x4xf32>,
      %get3A_502 = arith.constant 32 : index
      %get3A_503 = memref.load %arg1[%get3A_502] : memref<64xi32, #tpu.memory_space<smem>>
      %get3A_504 = arith.constant 4 : index
      %get3A_505 = arith.index_cast %get3A_503 : i32 to index
      %get3A_506 = arith.constant 0 : index
      %get3A_507 = arith.constant 0 : index
      %get3A_508 = vector.load %arg3[%get3A_504, %get3A_505, %get3A_506, %get3A_507] : memref<8x16x4x4xf32, #tpu.memory_space<vmem>>, vector<1x1x4x4xf32>
      %get3A_509 = vector.shape_cast %get3A_508 : vector<1x1x4x4xf32> to vector<4x4xf32>
      %swap3A_510 = arith.constant 4 : index
      %swap3A_511 = arith.constant 0 : index
      %swap3A_512 = arith.constant 0 : index
      %swap3A_513 = arith.constant 0 : index
      %swap3A_514 = vector.load %arg6[%swap3A_510, %swap3A_511, %swap3A_512, %swap3A_513] : memref<8x8x4x4xf32, #tpu.memory_space<vmem>>, vector<1x1x4x4xf32>
      %swap3A_515 = vector.shape_cast %swap3A_514 : vector<1x1x4x4xf32> to vector<4x4xf32>
      %swap3A_516 = vector.shape_cast %get3A_509 : vector<4x4xf32> to vector<1x1x4x4xf32>
      tpu.vector_store %arg6[%swap3A_510, %swap3A_511, %swap3A_512, %swap3A_513], %swap3A_516 {strides = array<i32>} : memref<8x8x4x4xf32, #tpu.memory_space<vmem>>, vector<1x1x4x4xf32>,
      %get3A_517 = arith.constant 33 : index
      %get3A_518 = memref.load %arg1[%get3A_517] : memref<64xi32, #tpu.memory_space<smem>>
      %get3A_519 = arith.constant 4 : index
      %get3A_520 = arith.index_cast %get3A_518 : i32 to index
      %get3A_521 = arith.constant 0 : index
      %get3A_522 = arith.constant 0 : index
      %get3A_523 = vector.load %arg3[%get3A_519, %get3A_520, %get3A_521, %get3A_522] : memref<8x16x4x4xf32, #tpu.memory_space<vmem>>, vector<1x1x4x4xf32>
      %get3A_524 = vector.shape_cast %get3A_523 : vector<1x1x4x4xf32> to vector<4x4xf32>
      %swap3A_525 = arith.constant 4 : index
      %swap3A_526 = arith.constant 1 : index
      %swap3A_527 = arith.constant 0 : index
      %swap3A_528 = arith.constant 0 : index
      %swap3A_529 = vector.load %arg6[%swap3A_525, %swap3A_526, %swap3A_527, %swap3A_528] : memref<8x8x4x4xf32, #tpu.memory_space<vmem>>, vector<1x1x4x4xf32>
      %swap3A_530 = vector.shape_cast %swap3A_529 : vector<1x1x4x4xf32> to vector<4x4xf32>
      %swap3A_531 = vector.shape_cast %get3A_524 : vector<4x4xf32> to vector<1x1x4x4xf32>
      tpu.vector_store %arg6[%swap3A_525, %swap3A_526, %swap3A_527, %swap3A_528], %swap3A_531 {strides = array<i32>} : memref<8x8x4x4xf32, #tpu.memory_space<vmem>>, vector<1x1x4x4xf32>,
      %get3A_532 = arith.constant 34 : index
      %get3A_533 = memref.load %arg1[%get3A_532] : memref<64xi32, #tpu.memory_space<smem>>
      %get3A_534 = arith.constant 4 : index
      %get3A_535 = arith.index_cast %get3A_533 : i32 to index
      %get3A_536 = arith.constant 0 : index
      %get3A_537 = arith.constant 0 : index
      %get3A_538 = vector.load %arg3[%get3A_534, %get3A_535, %get3A_536, %get3A_537] : memref<8x16x4x4xf32, #tpu.memory_space<vmem>>, vector<1x1x4x4xf32>
      %get3A_539 = vector.shape_cast %get3A_538 : vector<1x1x4x4xf32> to vector<4x4xf32>
      %swap3A_540 = arith.constant 4 : index
      %swap3A_541 = arith.constant 2 : index
      %swap3A_542 = arith.constant 0 : index
      %swap3A_543 = arith.constant 0 : index
      %swap3A_544 = vector.load %arg6[%swap3A_540, %swap3A_541, %swap3A_542, %swap3A_543] : memref<8x8x4x4xf32, #tpu.memory_space<vmem>>, vector<1x1x4x4xf32>
      %swap3A_545 = vector.shape_cast %swap3A_544 : vector<1x1x4x4xf32> to vector<4x4xf32>
      %swap3A_546 = vector.shape_cast %get3A_539 : vector<4x4xf32> to vector<1x1x4x4xf32>
      tpu.vector_store %arg6[%swap3A_540, %swap3A_541, %swap3A_542, %swap3A_543], %swap3A_546 {strides = array<i32>} : memref<8x8x4x4xf32, #tpu.memory_space<vmem>>, vector<1x1x4x4xf32>,
      %get3A_547 = arith.constant 35 : index
      %get3A_548 = memref.load %arg1[%get3A_547] : memref<64xi32, #tpu.memory_space<smem>>
      %get3A_549 = arith.constant 4 : index
      %get3A_550 = arith.index_cast %get3A_548 : i32 to index
      %get3A_551 = arith.constant 0 : index
      %get3A_552 = arith.constant 0 : index
      %get3A_553 = vector.load %arg3[%get3A_549, %get3A_550, %get3A_551, %get3A_552] : memref<8x16x4x4xf32, #tpu.memory_space<vmem>>, vector<1x1x4x4xf32>
      %get3A_554 = vector.shape_cast %get3A_553 : vector<1x1x4x4xf32> to vector<4x4xf32>
      %swap3A_555 = arith.constant 4 : index
      %swap3A_556 = arith.constant 3 : index
      %swap3A_557 = arith.constant 0 : index
      %swap3A_558 = arith.constant 0 : index
      %swap3A_559 = vector.load %arg6[%swap3A_555, %swap3A_556, %swap3A_557, %swap3A_558] : memref<8x8x4x4xf32, #tpu.memory_space<vmem>>, vector<1x1x4x4xf32>
      %swap3A_560 = vector.shape_cast %swap3A_559 : vector<1x1x4x4xf32> to vector<4x4xf32>
      %swap3A_561 = vector.shape_cast %get3A_554 : vector<4x4xf32> to vector<1x1x4x4xf32>
      tpu.vector_store %arg6[%swap3A_555, %swap3A_556, %swap3A_557, %swap3A_558], %swap3A_561 {strides = array<i32>} : memref<8x8x4x4xf32, #tpu.memory_space<vmem>>, vector<1x1x4x4xf32>,
      %get3A_562 = arith.constant 36 : index
      %get3A_563 = memref.load %arg1[%get3A_562] : memref<64xi32, #tpu.memory_space<smem>>
      %get3A_564 = arith.constant 4 : index
      %get3A_565 = arith.index_cast %get3A_563 : i32 to index
      %get3A_566 = arith.constant 0 : index
      %get3A_567 = arith.constant 0 : index
      %get3A_568 = vector.load %arg3[%get3A_564, %get3A_565, %get3A_566, %get3A_567] : memref<8x16x4x4xf32, #tpu.memory_space<vmem>>, vector<1x1x4x4xf32>
      %get3A_569 = vector.shape_cast %get3A_568 : vector<1x1x4x4xf32> to vector<4x4xf32>
      %swap3A_570 = arith.constant 4 : index
      %swap3A_571 = arith.constant 4 : index
      %swap3A_572 = arith.constant 0 : index
      %swap3A_573 = arith.constant 0 : index
      %swap3A_574 = vector.load %arg6[%swap3A_570, %swap3A_571, %swap3A_572, %swap3A_573] : memref<8x8x4x4xf32, #tpu.memory_space<vmem>>, vector<1x1x4x4xf32>
      %swap3A_575 = vector.shape_cast %swap3A_574 : vector<1x1x4x4xf32> to vector<4x4xf32>
      %swap3A_576 = vector.shape_cast %get3A_569 : vector<4x4xf32> to vector<1x1x4x4xf32>
      tpu.vector_store %arg6[%swap3A_570, %swap3A_571, %swap3A_572, %swap3A_573], %swap3A_576 {strides = array<i32>} : memref<8x8x4x4xf32, #tpu.memory_space<vmem>>, vector<1x1x4x4xf32>,
      %get3A_577 = arith.constant 37 : index
      %get3A_578 = memref.load %arg1[%get3A_577] : memref<64xi32, #tpu.memory_space<smem>>
      %get3A_579 = arith.constant 4 : index
      %get3A_580 = arith.index_cast %get3A_578 : i32 to index
      %get3A_581 = arith.constant 0 : index
      %get3A_582 = arith.constant 0 : index
      %get3A_583 = vector.load %arg3[%get3A_579, %get3A_580, %get3A_581, %get3A_582] : memref<8x16x4x4xf32, #tpu.memory_space<vmem>>, vector<1x1x4x4xf32>
      %get3A_584 = vector.shape_cast %get3A_583 : vector<1x1x4x4xf32> to vector<4x4xf32>
      %swap3A_585 = arith.constant 4 : index
      %swap3A_586 = arith.constant 5 : index
      %swap3A_587 = arith.constant 0 : index
      %swap3A_588 = arith.constant 0 : index
      %swap3A_589 = vector.load %arg6[%swap3A_585, %swap3A_586, %swap3A_587, %swap3A_588] : memref<8x8x4x4xf32, #tpu.memory_space<vmem>>, vector<1x1x4x4xf32>
      %swap3A_590 = vector.shape_cast %swap3A_589 : vector<1x1x4x4xf32> to vector<4x4xf32>
      %swap3A_591 = vector.shape_cast %get3A_584 : vector<4x4xf32> to vector<1x1x4x4xf32>
      tpu.vector_store %arg6[%swap3A_585, %swap3A_586, %swap3A_587, %swap3A_588], %swap3A_591 {strides = array<i32>} : memref<8x8x4x4xf32, #tpu.memory_space<vmem>>, vector<1x1x4x4xf32>,
      %get3A_592 = arith.constant 38 : index
      %get3A_593 = memref.load %arg1[%get3A_592] : memref<64xi32, #tpu.memory_space<smem>>
      %get3A_594 = arith.constant 4 : index
      %get3A_595 = arith.index_cast %get3A_593 : i32 to index
      %get3A_596 = arith.constant 0 : index
      %get3A_597 = arith.constant 0 : index
      %get3A_598 = vector.load %arg3[%get3A_594, %get3A_595, %get3A_596, %get3A_597] : memref<8x16x4x4xf32, #tpu.memory_space<vmem>>, vector<1x1x4x4xf32>
      %get3A_599 = vector.shape_cast %get3A_598 : vector<1x1x4x4xf32> to vector<4x4xf32>
      %swap3A_600 = arith.constant 4 : index
      %swap3A_601 = arith.constant 6 : index
      %swap3A_602 = arith.constant 0 : index
      %swap3A_603 = arith.constant 0 : index
      %swap3A_604 = vector.load %arg6[%swap3A_600, %swap3A_601, %swap3A_602, %swap3A_603] : memref<8x8x4x4xf32, #tpu.memory_space<vmem>>, vector<1x1x4x4xf32>
      %swap3A_605 = vector.shape_cast %swap3A_604 : vector<1x1x4x4xf32> to vector<4x4xf32>
      %swap3A_606 = vector.shape_cast %get3A_599 : vector<4x4xf32> to vector<1x1x4x4xf32>
      tpu.vector_store %arg6[%swap3A_600, %swap3A_601, %swap3A_602, %swap3A_603], %swap3A_606 {strides = array<i32>} : memref<8x8x4x4xf32, #tpu.memory_space<vmem>>, vector<1x1x4x4xf32>,
      %get3A_607 = arith.constant 39 : index
      %get3A_608 = memref.load %arg1[%get3A_607] : memref<64xi32, #tpu.memory_space<smem>>
      %get3A_609 = arith.constant 4 : index
      %get3A_610 = arith.index_cast %get3A_608 : i32 to index
      %get3A_611 = arith.constant 0 : index
      %get3A_612 = arith.constant 0 : index
      %get3A_613 = vector.load %arg3[%get3A_609, %get3A_610, %get3A_611, %get3A_612] : memref<8x16x4x4xf32, #tpu.memory_space<vmem>>, vector<1x1x4x4xf32>
      %get3A_614 = vector.shape_cast %get3A_613 : vector<1x1x4x4xf32> to vector<4x4xf32>
      %swap3A_615 = arith.constant 4 : index
      %swap3A_616 = arith.constant 7 : index
      %swap3A_617 = arith.constant 0 : index
      %swap3A_618 = arith.constant 0 : index
      %swap3A_619 = vector.load %arg6[%swap3A_615, %swap3A_616, %swap3A_617, %swap3A_618] : memref<8x8x4x4xf32, #tpu.memory_space<vmem>>, vector<1x1x4x4xf32>
      %swap3A_620 = vector.shape_cast %swap3A_619 : vector<1x1x4x4xf32> to vector<4x4xf32>
      %swap3A_621 = vector.shape_cast %get3A_614 : vector<4x4xf32> to vector<1x1x4x4xf32>
      tpu.vector_store %arg6[%swap3A_615, %swap3A_616, %swap3A_617, %swap3A_618], %swap3A_621 {strides = array<i32>} : memref<8x8x4x4xf32, #tpu.memory_space<vmem>>, vector<1x1x4x4xf32>,
      %get3A_622 = arith.constant 40 : index
      %get3A_623 = memref.load %arg1[%get3A_622] : memref<64xi32, #tpu.memory_space<smem>>
      %get3A_624 = arith.constant 5 : index
      %get3A_625 = arith.index_cast %get3A_623 : i32 to index
      %get3A_626 = arith.constant 0 : index
      %get3A_627 = arith.constant 0 : index
      %get3A_628 = vector.load %arg3[%get3A_624, %get3A_625, %get3A_626, %get3A_627] : memref<8x16x4x4xf32, #tpu.memory_space<vmem>>, vector<1x1x4x4xf32>
      %get3A_629 = vector.shape_cast %get3A_628 : vector<1x1x4x4xf32> to vector<4x4xf32>
      %swap3A_630 = arith.constant 5 : index
      %swap3A_631 = arith.constant 0 : index
      %swap3A_632 = arith.constant 0 : index
      %swap3A_633 = arith.constant 0 : index
      %swap3A_634 = vector.load %arg6[%swap3A_630, %swap3A_631, %swap3A_632, %swap3A_633] : memref<8x8x4x4xf32, #tpu.memory_space<vmem>>, vector<1x1x4x4xf32>
      %swap3A_635 = vector.shape_cast %swap3A_634 : vector<1x1x4x4xf32> to vector<4x4xf32>
      %swap3A_636 = vector.shape_cast %get3A_629 : vector<4x4xf32> to vector<1x1x4x4xf32>
      tpu.vector_store %arg6[%swap3A_630, %swap3A_631, %swap3A_632, %swap3A_633], %swap3A_636 {strides = array<i32>} : memref<8x8x4x4xf32, #tpu.memory_space<vmem>>, vector<1x1x4x4xf32>,
      %get3A_637 = arith.constant 41 : index
      %get3A_638 = memref.load %arg1[%get3A_637] : memref<64xi32, #tpu.memory_space<smem>>
      %get3A_639 = arith.constant 5 : index
      %get3A_640 = arith.index_cast %get3A_638 : i32 to index
      %get3A_641 = arith.constant 0 : index
      %get3A_642 = arith.constant 0 : index
      %get3A_643 = vector.load %arg3[%get3A_639, %get3A_640, %get3A_641, %get3A_642] : memref<8x16x4x4xf32, #tpu.memory_space<vmem>>, vector<1x1x4x4xf32>
      %get3A_644 = vector.shape_cast %get3A_643 : vector<1x1x4x4xf32> to vector<4x4xf32>
      %swap3A_645 = arith.constant 5 : index
      %swap3A_646 = arith.constant 1 : index
      %swap3A_647 = arith.constant 0 : index
      %swap3A_648 = arith.constant 0 : index
      %swap3A_649 = vector.load %arg6[%swap3A_645, %swap3A_646, %swap3A_647, %swap3A_648] : memref<8x8x4x4xf32, #tpu.memory_space<vmem>>, vector<1x1x4x4xf32>
      %swap3A_650 = vector.shape_cast %swap3A_649 : vector<1x1x4x4xf32> to vector<4x4xf32>
      %swap3A_651 = vector.shape_cast %get3A_644 : vector<4x4xf32> to vector<1x1x4x4xf32>
      tpu.vector_store %arg6[%swap3A_645, %swap3A_646, %swap3A_647, %swap3A_648], %swap3A_651 {strides = array<i32>} : memref<8x8x4x4xf32, #tpu.memory_space<vmem>>, vector<1x1x4x4xf32>,
      %get3A_652 = arith.constant 42 : index
      %get3A_653 = memref.load %arg1[%get3A_652] : memref<64xi32, #tpu.memory_space<smem>>
      %get3A_654 = arith.constant 5 : index
      %get3A_655 = arith.index_cast %get3A_653 : i32 to index
      %get3A_656 = arith.constant 0 : index
      %get3A_657 = arith.constant 0 : index
      %get3A_658 = vector.load %arg3[%get3A_654, %get3A_655, %get3A_656, %get3A_657] : memref<8x16x4x4xf32, #tpu.memory_space<vmem>>, vector<1x1x4x4xf32>
      %get3A_659 = vector.shape_cast %get3A_658 : vector<1x1x4x4xf32> to vector<4x4xf32>
      %swap3A_660 = arith.constant 5 : index
      %swap3A_661 = arith.constant 2 : index
      %swap3A_662 = arith.constant 0 : index
      %swap3A_663 = arith.constant 0 : index
      %swap3A_664 = vector.load %arg6[%swap3A_660, %swap3A_661, %swap3A_662, %swap3A_663] : memref<8x8x4x4xf32, #tpu.memory_space<vmem>>, vector<1x1x4x4xf32>
      %swap3A_665 = vector.shape_cast %swap3A_664 : vector<1x1x4x4xf32> to vector<4x4xf32>
      %swap3A_666 = vector.shape_cast %get3A_659 : vector<4x4xf32> to vector<1x1x4x4xf32>
      tpu.vector_store %arg6[%swap3A_660, %swap3A_661, %swap3A_662, %swap3A_663], %swap3A_666 {strides = array<i32>} : memref<8x8x4x4xf32, #tpu.memory_space<vmem>>, vector<1x1x4x4xf32>,
      %get3A_667 = arith.constant 43 : index
      %get3A_668 = memref.load %arg1[%get3A_667] : memref<64xi32, #tpu.memory_space<smem>>
      %get3A_669 = arith.constant 5 : index
      %get3A_670 = arith.index_cast %get3A_668 : i32 to index
      %get3A_671 = arith.constant 0 : index
      %get3A_672 = arith.constant 0 : index
      %get3A_673 = vector.load %arg3[%get3A_669, %get3A_670, %get3A_671, %get3A_672] : memref<8x16x4x4xf32, #tpu.memory_space<vmem>>, vector<1x1x4x4xf32>
      %get3A_674 = vector.shape_cast %get3A_673 : vector<1x1x4x4xf32> to vector<4x4xf32>
      %swap3A_675 = arith.constant 5 : index
      %swap3A_676 = arith.constant 3 : index
      %swap3A_677 = arith.constant 0 : index
      %swap3A_678 = arith.constant 0 : index
      %swap3A_679 = vector.load %arg6[%swap3A_675, %swap3A_676, %swap3A_677, %swap3A_678] : memref<8x8x4x4xf32, #tpu.memory_space<vmem>>, vector<1x1x4x4xf32>
      %swap3A_680 = vector.shape_cast %swap3A_679 : vector<1x1x4x4xf32> to vector<4x4xf32>
      %swap3A_681 = vector.shape_cast %get3A_674 : vector<4x4xf32> to vector<1x1x4x4xf32>
      tpu.vector_store %arg6[%swap3A_675, %swap3A_676, %swap3A_677, %swap3A_678], %swap3A_681 {strides = array<i32>} : memref<8x8x4x4xf32, #tpu.memory_space<vmem>>, vector<1x1x4x4xf32>,
      %get3A_682 = arith.constant 44 : index
      %get3A_683 = memref.load %arg1[%get3A_682] : memref<64xi32, #tpu.memory_space<smem>>
      %get3A_684 = arith.constant 5 : index
      %get3A_685 = arith.index_cast %get3A_683 : i32 to index
      %get3A_686 = arith.constant 0 : index
      %get3A_687 = arith.constant 0 : index
      %get3A_688 = vector.load %arg3[%get3A_684, %get3A_685, %get3A_686, %get3A_687] : memref<8x16x4x4xf32, #tpu.memory_space<vmem>>, vector<1x1x4x4xf32>
      %get3A_689 = vector.shape_cast %get3A_688 : vector<1x1x4x4xf32> to vector<4x4xf32>
      %swap3A_690 = arith.constant 5 : index
      %swap3A_691 = arith.constant 4 : index
      %swap3A_692 = arith.constant 0 : index
      %swap3A_693 = arith.constant 0 : index
      %swap3A_694 = vector.load %arg6[%swap3A_690, %swap3A_691, %swap3A_692, %swap3A_693] : memref<8x8x4x4xf32, #tpu.memory_space<vmem>>, vector<1x1x4x4xf32>
      %swap3A_695 = vector.shape_cast %swap3A_694 : vector<1x1x4x4xf32> to vector<4x4xf32>
      %swap3A_696 = vector.shape_cast %get3A_689 : vector<4x4xf32> to vector<1x1x4x4xf32>
      tpu.vector_store %arg6[%swap3A_690, %swap3A_691, %swap3A_692, %swap3A_693], %swap3A_696 {strides = array<i32>} : memref<8x8x4x4xf32, #tpu.memory_space<vmem>>, vector<1x1x4x4xf32>,
      %get3A_697 = arith.constant 45 : index
      %get3A_698 = memref.load %arg1[%get3A_697] : memref<64xi32, #tpu.memory_space<smem>>
      %get3A_699 = arith.constant 5 : index
      %get3A_700 = arith.index_cast %get3A_698 : i32 to index
      %get3A_701 = arith.constant 0 : index
      %get3A_702 = arith.constant 0 : index
      %get3A_703 = vector.load %arg3[%get3A_699, %get3A_700, %get3A_701, %get3A_702] : memref<8x16x4x4xf32, #tpu.memory_space<vmem>>, vector<1x1x4x4xf32>
      %get3A_704 = vector.shape_cast %get3A_703 : vector<1x1x4x4xf32> to vector<4x4xf32>
      %swap3A_705 = arith.constant 5 : index
      %swap3A_706 = arith.constant 5 : index
      %swap3A_707 = arith.constant 0 : index
      %swap3A_708 = arith.constant 0 : index
      %swap3A_709 = vector.load %arg6[%swap3A_705, %swap3A_706, %swap3A_707, %swap3A_708] : memref<8x8x4x4xf32, #tpu.memory_space<vmem>>, vector<1x1x4x4xf32>
      %swap3A_710 = vector.shape_cast %swap3A_709 : vector<1x1x4x4xf32> to vector<4x4xf32>
      %swap3A_711 = vector.shape_cast %get3A_704 : vector<4x4xf32> to vector<1x1x4x4xf32>
      tpu.vector_store %arg6[%swap3A_705, %swap3A_706, %swap3A_707, %swap3A_708], %swap3A_711 {strides = array<i32>} : memref<8x8x4x4xf32, #tpu.memory_space<vmem>>, vector<1x1x4x4xf32>,
      %get3A_712 = arith.constant 46 : index
      %get3A_713 = memref.load %arg1[%get3A_712] : memref<64xi32, #tpu.memory_space<smem>>
      %get3A_714 = arith.constant 5 : index
      %get3A_715 = arith.index_cast %get3A_713 : i32 to index
      %get3A_716 = arith.constant 0 : index
      %get3A_717 = arith.constant 0 : index
      %get3A_718 = vector.load %arg3[%get3A_714, %get3A_715, %get3A_716, %get3A_717] : memref<8x16x4x4xf32, #tpu.memory_space<vmem>>, vector<1x1x4x4xf32>
      %get3A_719 = vector.shape_cast %get3A_718 : vector<1x1x4x4xf32> to vector<4x4xf32>
      %swap3A_720 = arith.constant 5 : index
      %swap3A_721 = arith.constant 6 : index
      %swap3A_722 = arith.constant 0 : index
      %swap3A_723 = arith.constant 0 : index
      %swap3A_724 = vector.load %arg6[%swap3A_720, %swap3A_721, %swap3A_722, %swap3A_723] : memref<8x8x4x4xf32, #tpu.memory_space<vmem>>, vector<1x1x4x4xf32>
      %swap3A_725 = vector.shape_cast %swap3A_724 : vector<1x1x4x4xf32> to vector<4x4xf32>
      %swap3A_726 = vector.shape_cast %get3A_719 : vector<4x4xf32> to vector<1x1x4x4xf32>
      tpu.vector_store %arg6[%swap3A_720, %swap3A_721, %swap3A_722, %swap3A_723], %swap3A_726 {strides = array<i32>} : memref<8x8x4x4xf32, #tpu.memory_space<vmem>>, vector<1x1x4x4xf32>,
      %get3A_727 = arith.constant 47 : index
      %get3A_728 = memref.load %arg1[%get3A_727] : memref<64xi32, #tpu.memory_space<smem>>
      %get3A_729 = arith.constant 5 : index
      %get3A_730 = arith.index_cast %get3A_728 : i32 to index
      %get3A_731 = arith.constant 0 : index
      %get3A_732 = arith.constant 0 : index
      %get3A_733 = vector.load %arg3[%get3A_729, %get3A_730, %get3A_731, %get3A_732] : memref<8x16x4x4xf32, #tpu.memory_space<vmem>>, vector<1x1x4x4xf32>
      %get3A_734 = vector.shape_cast %get3A_733 : vector<1x1x4x4xf32> to vector<4x4xf32>
      %swap3A_735 = arith.constant 5 : index
      %swap3A_736 = arith.constant 7 : index
      %swap3A_737 = arith.constant 0 : index
      %swap3A_738 = arith.constant 0 : index
      %swap3A_739 = vector.load %arg6[%swap3A_735, %swap3A_736, %swap3A_737, %swap3A_738] : memref<8x8x4x4xf32, #tpu.memory_space<vmem>>, vector<1x1x4x4xf32>
      %swap3A_740 = vector.shape_cast %swap3A_739 : vector<1x1x4x4xf32> to vector<4x4xf32>
      %swap3A_741 = vector.shape_cast %get3A_734 : vector<4x4xf32> to vector<1x1x4x4xf32>
      tpu.vector_store %arg6[%swap3A_735, %swap3A_736, %swap3A_737, %swap3A_738], %swap3A_741 {strides = array<i32>} : memref<8x8x4x4xf32, #tpu.memory_space<vmem>>, vector<1x1x4x4xf32>,
      %get3A_742 = arith.constant 48 : index
      %get3A_743 = memref.load %arg1[%get3A_742] : memref<64xi32, #tpu.memory_space<smem>>
      %get3A_744 = arith.constant 6 : index
      %get3A_745 = arith.index_cast %get3A_743 : i32 to index
      %get3A_746 = arith.constant 0 : index
      %get3A_747 = arith.constant 0 : index
      %get3A_748 = vector.load %arg3[%get3A_744, %get3A_745, %get3A_746, %get3A_747] : memref<8x16x4x4xf32, #tpu.memory_space<vmem>>, vector<1x1x4x4xf32>
      %get3A_749 = vector.shape_cast %get3A_748 : vector<1x1x4x4xf32> to vector<4x4xf32>
      %swap3A_750 = arith.constant 6 : index
      %swap3A_751 = arith.constant 0 : index
      %swap3A_752 = arith.constant 0 : index
      %swap3A_753 = arith.constant 0 : index
      %swap3A_754 = vector.load %arg6[%swap3A_750, %swap3A_751, %swap3A_752, %swap3A_753] : memref<8x8x4x4xf32, #tpu.memory_space<vmem>>, vector<1x1x4x4xf32>
      %swap3A_755 = vector.shape_cast %swap3A_754 : vector<1x1x4x4xf32> to vector<4x4xf32>
      %swap3A_756 = vector.shape_cast %get3A_749 : vector<4x4xf32> to vector<1x1x4x4xf32>
      tpu.vector_store %arg6[%swap3A_750, %swap3A_751, %swap3A_752, %swap3A_753], %swap3A_756 {strides = array<i32>} : memref<8x8x4x4xf32, #tpu.memory_space<vmem>>, vector<1x1x4x4xf32>,
      %get3A_757 = arith.constant 49 : index
      %get3A_758 = memref.load %arg1[%get3A_757] : memref<64xi32, #tpu.memory_space<smem>>
      %get3A_759 = arith.constant 6 : index
      %get3A_760 = arith.index_cast %get3A_758 : i32 to index
      %get3A_761 = arith.constant 0 : index
      %get3A_762 = arith.constant 0 : index
      %get3A_763 = vector.load %arg3[%get3A_759, %get3A_760, %get3A_761, %get3A_762] : memref<8x16x4x4xf32, #tpu.memory_space<vmem>>, vector<1x1x4x4xf32>
      %get3A_764 = vector.shape_cast %get3A_763 : vector<1x1x4x4xf32> to vector<4x4xf32>
      %swap3A_765 = arith.constant 6 : index
      %swap3A_766 = arith.constant 1 : index
      %swap3A_767 = arith.constant 0 : index
      %swap3A_768 = arith.constant 0 : index
      %swap3A_769 = vector.load %arg6[%swap3A_765, %swap3A_766, %swap3A_767, %swap3A_768] : memref<8x8x4x4xf32, #tpu.memory_space<vmem>>, vector<1x1x4x4xf32>
      %swap3A_770 = vector.shape_cast %swap3A_769 : vector<1x1x4x4xf32> to vector<4x4xf32>
      %swap3A_771 = vector.shape_cast %get3A_764 : vector<4x4xf32> to vector<1x1x4x4xf32>
      tpu.vector_store %arg6[%swap3A_765, %swap3A_766, %swap3A_767, %swap3A_768], %swap3A_771 {strides = array<i32>} : memref<8x8x4x4xf32, #tpu.memory_space<vmem>>, vector<1x1x4x4xf32>,
      %get3A_772 = arith.constant 50 : index
      %get3A_773 = memref.load %arg1[%get3A_772] : memref<64xi32, #tpu.memory_space<smem>>
      %get3A_774 = arith.constant 6 : index
      %get3A_775 = arith.index_cast %get3A_773 : i32 to index
      %get3A_776 = arith.constant 0 : index
      %get3A_777 = arith.constant 0 : index
      %get3A_778 = vector.load %arg3[%get3A_774, %get3A_775, %get3A_776, %get3A_777] : memref<8x16x4x4xf32, #tpu.memory_space<vmem>>, vector<1x1x4x4xf32>
      %get3A_779 = vector.shape_cast %get3A_778 : vector<1x1x4x4xf32> to vector<4x4xf32>
      %swap3A_780 = arith.constant 6 : index
      %swap3A_781 = arith.constant 2 : index
      %swap3A_782 = arith.constant 0 : index
      %swap3A_783 = arith.constant 0 : index
      %swap3A_784 = vector.load %arg6[%swap3A_780, %swap3A_781, %swap3A_782, %swap3A_783] : memref<8x8x4x4xf32, #tpu.memory_space<vmem>>, vector<1x1x4x4xf32>
      %swap3A_785 = vector.shape_cast %swap3A_784 : vector<1x1x4x4xf32> to vector<4x4xf32>
      %swap3A_786 = vector.shape_cast %get3A_779 : vector<4x4xf32> to vector<1x1x4x4xf32>
      tpu.vector_store %arg6[%swap3A_780, %swap3A_781, %swap3A_782, %swap3A_783], %swap3A_786 {strides = array<i32>} : memref<8x8x4x4xf32, #tpu.memory_space<vmem>>, vector<1x1x4x4xf32>,
      %get3A_787 = arith.constant 51 : index
      %get3A_788 = memref.load %arg1[%get3A_787] : memref<64xi32, #tpu.memory_space<smem>>
      %get3A_789 = arith.constant 6 : index
      %get3A_790 = arith.index_cast %get3A_788 : i32 to index
      %get3A_791 = arith.constant 0 : index
      %get3A_792 = arith.constant 0 : index
      %get3A_793 = vector.load %arg3[%get3A_789, %get3A_790, %get3A_791, %get3A_792] : memref<8x16x4x4xf32, #tpu.memory_space<vmem>>, vector<1x1x4x4xf32>
      %get3A_794 = vector.shape_cast %get3A_793 : vector<1x1x4x4xf32> to vector<4x4xf32>
      %swap3A_795 = arith.constant 6 : index
      %swap3A_796 = arith.constant 3 : index
      %swap3A_797 = arith.constant 0 : index
      %swap3A_798 = arith.constant 0 : index
      %swap3A_799 = vector.load %arg6[%swap3A_795, %swap3A_796, %swap3A_797, %swap3A_798] : memref<8x8x4x4xf32, #tpu.memory_space<vmem>>, vector<1x1x4x4xf32>
      %swap3A_800 = vector.shape_cast %swap3A_799 : vector<1x1x4x4xf32> to vector<4x4xf32>
      %swap3A_801 = vector.shape_cast %get3A_794 : vector<4x4xf32> to vector<1x1x4x4xf32>
      tpu.vector_store %arg6[%swap3A_795, %swap3A_796, %swap3A_797, %swap3A_798], %swap3A_801 {strides = array<i32>} : memref<8x8x4x4xf32, #tpu.memory_space<vmem>>, vector<1x1x4x4xf32>,
      %get3A_802 = arith.constant 52 : index
      %get3A_803 = memref.load %arg1[%get3A_802] : memref<64xi32, #tpu.memory_space<smem>>
      %get3A_804 = arith.constant 6 : index
      %get3A_805 = arith.index_cast %get3A_803 : i32 to index
      %get3A_806 = arith.constant 0 : index
      %get3A_807 = arith.constant 0 : index
      %get3A_808 = vector.load %arg3[%get3A_804, %get3A_805, %get3A_806, %get3A_807] : memref<8x16x4x4xf32, #tpu.memory_space<vmem>>, vector<1x1x4x4xf32>
      %get3A_809 = vector.shape_cast %get3A_808 : vector<1x1x4x4xf32> to vector<4x4xf32>
      %swap3A_810 = arith.constant 6 : index
      %swap3A_811 = arith.constant 4 : index
      %swap3A_812 = arith.constant 0 : index
      %swap3A_813 = arith.constant 0 : index
      %swap3A_814 = vector.load %arg6[%swap3A_810, %swap3A_811, %swap3A_812, %swap3A_813] : memref<8x8x4x4xf32, #tpu.memory_space<vmem>>, vector<1x1x4x4xf32>
      %swap3A_815 = vector.shape_cast %swap3A_814 : vector<1x1x4x4xf32> to vector<4x4xf32>
      %swap3A_816 = vector.shape_cast %get3A_809 : vector<4x4xf32> to vector<1x1x4x4xf32>
      tpu.vector_store %arg6[%swap3A_810, %swap3A_811, %swap3A_812, %swap3A_813], %swap3A_816 {strides = array<i32>} : memref<8x8x4x4xf32, #tpu.memory_space<vmem>>, vector<1x1x4x4xf32>,
      %get3A_817 = arith.constant 53 : index
      %get3A_818 = memref.load %arg1[%get3A_817] : memref<64xi32, #tpu.memory_space<smem>>
      %get3A_819 = arith.constant 6 : index
      %get3A_820 = arith.index_cast %get3A_818 : i32 to index
      %get3A_821 = arith.constant 0 : index
      %get3A_822 = arith.constant 0 : index
      %get3A_823 = vector.load %arg3[%get3A_819, %get3A_820, %get3A_821, %get3A_822] : memref<8x16x4x4xf32, #tpu.memory_space<vmem>>, vector<1x1x4x4xf32>
      %get3A_824 = vector.shape_cast %get3A_823 : vector<1x1x4x4xf32> to vector<4x4xf32>
      %swap3A_825 = arith.constant 6 : index
      %swap3A_826 = arith.constant 5 : index
      %swap3A_827 = arith.constant 0 : index
      %swap3A_828 = arith.constant 0 : index
      %swap3A_829 = vector.load %arg6[%swap3A_825, %swap3A_826, %swap3A_827, %swap3A_828] : memref<8x8x4x4xf32, #tpu.memory_space<vmem>>, vector<1x1x4x4xf32>
      %swap3A_830 = vector.shape_cast %swap3A_829 : vector<1x1x4x4xf32> to vector<4x4xf32>
      %swap3A_831 = vector.shape_cast %get3A_824 : vector<4x4xf32> to vector<1x1x4x4xf32>
      tpu.vector_store %arg6[%swap3A_825, %swap3A_826, %swap3A_827, %swap3A_828], %swap3A_831 {strides = array<i32>} : memref<8x8x4x4xf32, #tpu.memory_space<vmem>>, vector<1x1x4x4xf32>,
      %get3A_832 = arith.constant 54 : index
      %get3A_833 = memref.load %arg1[%get3A_832] : memref<64xi32, #tpu.memory_space<smem>>
      %get3A_834 = arith.constant 6 : index
      %get3A_835 = arith.index_cast %get3A_833 : i32 to index
      %get3A_836 = arith.constant 0 : index
      %get3A_837 = arith.constant 0 : index
      %get3A_838 = vector.load %arg3[%get3A_834, %get3A_835, %get3A_836, %get3A_837] : memref<8x16x4x4xf32, #tpu.memory_space<vmem>>, vector<1x1x4x4xf32>
      %get3A_839 = vector.shape_cast %get3A_838 : vector<1x1x4x4xf32> to vector<4x4xf32>
      %swap3A_840 = arith.constant 6 : index
      %swap3A_841 = arith.constant 6 : index
      %swap3A_842 = arith.constant 0 : index
      %swap3A_843 = arith.constant 0 : index
      %swap3A_844 = vector.load %arg6[%swap3A_840, %swap3A_841, %swap3A_842, %swap3A_843] : memref<8x8x4x4xf32, #tpu.memory_space<vmem>>, vector<1x1x4x4xf32>
      %swap3A_845 = vector.shape_cast %swap3A_844 : vector<1x1x4x4xf32> to vector<4x4xf32>
      %swap3A_846 = vector.shape_cast %get3A_839 : vector<4x4xf32> to vector<1x1x4x4xf32>
      tpu.vector_store %arg6[%swap3A_840, %swap3A_841, %swap3A_842, %swap3A_843], %swap3A_846 {strides = array<i32>} : memref<8x8x4x4xf32, #tpu.memory_space<vmem>>, vector<1x1x4x4xf32>,
      %get3A_847 = arith.constant 55 : index
      %get3A_848 = memref.load %arg1[%get3A_847] : memref<64xi32, #tpu.memory_space<smem>>
      %get3A_849 = arith.constant 6 : index
      %get3A_850 = arith.index_cast %get3A_848 : i32 to index
      %get3A_851 = arith.constant 0 : index
      %get3A_852 = arith.constant 0 : index
      %get3A_853 = vector.load %arg3[%get3A_849, %get3A_850, %get3A_851, %get3A_852] : memref<8x16x4x4xf32, #tpu.memory_space<vmem>>, vector<1x1x4x4xf32>
      %get3A_854 = vector.shape_cast %get3A_853 : vector<1x1x4x4xf32> to vector<4x4xf32>
      %swap3A_855 = arith.constant 6 : index
      %swap3A_856 = arith.constant 7 : index
      %swap3A_857 = arith.constant 0 : index
      %swap3A_858 = arith.constant 0 : index
      %swap3A_859 = vector.load %arg6[%swap3A_855, %swap3A_856, %swap3A_857, %swap3A_858] : memref<8x8x4x4xf32, #tpu.memory_space<vmem>>, vector<1x1x4x4xf32>
      %swap3A_860 = vector.shape_cast %swap3A_859 : vector<1x1x4x4xf32> to vector<4x4xf32>
      %swap3A_861 = vector.shape_cast %get3A_854 : vector<4x4xf32> to vector<1x1x4x4xf32>
      tpu.vector_store %arg6[%swap3A_855, %swap3A_856, %swap3A_857, %swap3A_858], %swap3A_861 {strides = array<i32>} : memref<8x8x4x4xf32, #tpu.memory_space<vmem>>, vector<1x1x4x4xf32>,
      %get3A_862 = arith.constant 56 : index
      %get3A_863 = memref.load %arg1[%get3A_862] : memref<64xi32, #tpu.memory_space<smem>>
      %get3A_864 = arith.constant 7 : index
      %get3A_865 = arith.index_cast %get3A_863 : i32 to index
      %get3A_866 = arith.constant 0 : index
      %get3A_867 = arith.constant 0 : index
      %get3A_868 = vector.load %arg3[%get3A_864, %get3A_865, %get3A_866, %get3A_867] : memref<8x16x4x4xf32, #tpu.memory_space<vmem>>, vector<1x1x4x4xf32>
      %get3A_869 = vector.shape_cast %get3A_868 : vector<1x1x4x4xf32> to vector<4x4xf32>
      %swap3A_870 = arith.constant 7 : index
      %swap3A_871 = arith.constant 0 : index
      %swap3A_872 = arith.constant 0 : index
      %swap3A_873 = arith.constant 0 : index
      %swap3A_874 = vector.load %arg6[%swap3A_870, %swap3A_871, %swap3A_872, %swap3A_873] : memref<8x8x4x4xf32, #tpu.memory_space<vmem>>, vector<1x1x4x4xf32>
      %swap3A_875 = vector.shape_cast %swap3A_874 : vector<1x1x4x4xf32> to vector<4x4xf32>
      %swap3A_876 = vector.shape_cast %get3A_869 : vector<4x4xf32> to vector<1x1x4x4xf32>
      tpu.vector_store %arg6[%swap3A_870, %swap3A_871, %swap3A_872, %swap3A_873], %swap3A_876 {strides = array<i32>} : memref<8x8x4x4xf32, #tpu.memory_space<vmem>>, vector<1x1x4x4xf32>,
      %get3A_877 = arith.constant 57 : index
      %get3A_878 = memref.load %arg1[%get3A_877] : memref<64xi32, #tpu.memory_space<smem>>
      %get3A_879 = arith.constant 7 : index
      %get3A_880 = arith.index_cast %get3A_878 : i32 to index
      %get3A_881 = arith.constant 0 : index
      %get3A_882 = arith.constant 0 : index
      %get3A_883 = vector.load %arg3[%get3A_879, %get3A_880, %get3A_881, %get3A_882] : memref<8x16x4x4xf32, #tpu.memory_space<vmem>>, vector<1x1x4x4xf32>
      %get3A_884 = vector.shape_cast %get3A_883 : vector<1x1x4x4xf32> to vector<4x4xf32>
      %swap3A_885 = arith.constant 7 : index
      %swap3A_886 = arith.constant 1 : index
      %swap3A_887 = arith.constant 0 : index
      %swap3A_888 = arith.constant 0 : index
      %swap3A_889 = vector.load %arg6[%swap3A_885, %swap3A_886, %swap3A_887, %swap3A_888] : memref<8x8x4x4xf32, #tpu.memory_space<vmem>>, vector<1x1x4x4xf32>
      %swap3A_890 = vector.shape_cast %swap3A_889 : vector<1x1x4x4xf32> to vector<4x4xf32>
      %swap3A_891 = vector.shape_cast %get3A_884 : vector<4x4xf32> to vector<1x1x4x4xf32>
      tpu.vector_store %arg6[%swap3A_885, %swap3A_886, %swap3A_887, %swap3A_888], %swap3A_891 {strides = array<i32>} : memref<8x8x4x4xf32, #tpu.memory_space<vmem>>, vector<1x1x4x4xf32>,
      %get3A_892 = arith.constant 58 : index
      %get3A_893 = memref.load %arg1[%get3A_892] : memref<64xi32, #tpu.memory_space<smem>>
      %get3A_894 = arith.constant 7 : index
      %get3A_895 = arith.index_cast %get3A_893 : i32 to index
      %get3A_896 = arith.constant 0 : index
      %get3A_897 = arith.constant 0 : index
      %get3A_898 = vector.load %arg3[%get3A_894, %get3A_895, %get3A_896, %get3A_897] : memref<8x16x4x4xf32, #tpu.memory_space<vmem>>, vector<1x1x4x4xf32>
      %get3A_899 = vector.shape_cast %get3A_898 : vector<1x1x4x4xf32> to vector<4x4xf32>
      %swap3A_900 = arith.constant 7 : index
      %swap3A_901 = arith.constant 2 : index
      %swap3A_902 = arith.constant 0 : index
      %swap3A_903 = arith.constant 0 : index
      %swap3A_904 = vector.load %arg6[%swap3A_900, %swap3A_901, %swap3A_902, %swap3A_903] : memref<8x8x4x4xf32, #tpu.memory_space<vmem>>, vector<1x1x4x4xf32>
      %swap3A_905 = vector.shape_cast %swap3A_904 : vector<1x1x4x4xf32> to vector<4x4xf32>
      %swap3A_906 = vector.shape_cast %get3A_899 : vector<4x4xf32> to vector<1x1x4x4xf32>
      tpu.vector_store %arg6[%swap3A_900, %swap3A_901, %swap3A_902, %swap3A_903], %swap3A_906 {strides = array<i32>} : memref<8x8x4x4xf32, #tpu.memory_space<vmem>>, vector<1x1x4x4xf32>,
      %get3A_907 = arith.constant 59 : index
      %get3A_908 = memref.load %arg1[%get3A_907] : memref<64xi32, #tpu.memory_space<smem>>
      %get3A_909 = arith.constant 7 : index
      %get3A_910 = arith.index_cast %get3A_908 : i32 to index
      %get3A_911 = arith.constant 0 : index
      %get3A_912 = arith.constant 0 : index
      %get3A_913 = vector.load %arg3[%get3A_909, %get3A_910, %get3A_911, %get3A_912] : memref<8x16x4x4xf32, #tpu.memory_space<vmem>>, vector<1x1x4x4xf32>
      %get3A_914 = vector.shape_cast %get3A_913 : vector<1x1x4x4xf32> to vector<4x4xf32>
      %swap3A_915 = arith.constant 7 : index
      %swap3A_916 = arith.constant 3 : index
      %swap3A_917 = arith.constant 0 : index
      %swap3A_918 = arith.constant 0 : index
      %swap3A_919 = vector.load %arg6[%swap3A_915, %swap3A_916, %swap3A_917, %swap3A_918] : memref<8x8x4x4xf32, #tpu.memory_space<vmem>>, vector<1x1x4x4xf32>
      %swap3A_920 = vector.shape_cast %swap3A_919 : vector<1x1x4x4xf32> to vector<4x4xf32>
      %swap3A_921 = vector.shape_cast %get3A_914 : vector<4x4xf32> to vector<1x1x4x4xf32>
      tpu.vector_store %arg6[%swap3A_915, %swap3A_916, %swap3A_917, %swap3A_918], %swap3A_921 {strides = array<i32>} : memref<8x8x4x4xf32, #tpu.memory_space<vmem>>, vector<1x1x4x4xf32>,
      %get3A_922 = arith.constant 60 : index
      %get3A_923 = memref.load %arg1[%get3A_922] : memref<64xi32, #tpu.memory_space<smem>>
      %get3A_924 = arith.constant 7 : index
      %get3A_925 = arith.index_cast %get3A_923 : i32 to index
      %get3A_926 = arith.constant 0 : index
      %get3A_927 = arith.constant 0 : index
      %get3A_928 = vector.load %arg3[%get3A_924, %get3A_925, %get3A_926, %get3A_927] : memref<8x16x4x4xf32, #tpu.memory_space<vmem>>, vector<1x1x4x4xf32>
      %get3A_929 = vector.shape_cast %get3A_928 : vector<1x1x4x4xf32> to vector<4x4xf32>
      %swap3A_930 = arith.constant 7 : index
      %swap3A_931 = arith.constant 4 : index
      %swap3A_932 = arith.constant 0 : index
      %swap3A_933 = arith.constant 0 : index
      %swap3A_934 = vector.load %arg6[%swap3A_930, %swap3A_931, %swap3A_932, %swap3A_933] : memref<8x8x4x4xf32, #tpu.memory_space<vmem>>, vector<1x1x4x4xf32>
      %swap3A_935 = vector.shape_cast %swap3A_934 : vector<1x1x4x4xf32> to vector<4x4xf32>
      %swap3A_936 = vector.shape_cast %get3A_929 : vector<4x4xf32> to vector<1x1x4x4xf32>
      tpu.vector_store %arg6[%swap3A_930, %swap3A_931, %swap3A_932, %swap3A_933], %swap3A_936 {strides = array<i32>} : memref<8x8x4x4xf32, #tpu.memory_space<vmem>>, vector<1x1x4x4xf32>,
      %get3A_937 = arith.constant 61 : index
      %get3A_938 = memref.load %arg1[%get3A_937] : memref<64xi32, #tpu.memory_space<smem>>
      %get3A_939 = arith.constant 7 : index
      %get3A_940 = arith.index_cast %get3A_938 : i32 to index
      %get3A_941 = arith.constant 0 : index
      %get3A_942 = arith.constant 0 : index
      %get3A_943 = vector.load %arg3[%get3A_939, %get3A_940, %get3A_941, %get3A_942] : memref<8x16x4x4xf32, #tpu.memory_space<vmem>>, vector<1x1x4x4xf32>
      %get3A_944 = vector.shape_cast %get3A_943 : vector<1x1x4x4xf32> to vector<4x4xf32>
      %swap3A_945 = arith.constant 7 : index
      %swap3A_946 = arith.constant 5 : index
      %swap3A_947 = arith.constant 0 : index
      %swap3A_948 = arith.constant 0 : index
      %swap3A_949 = vector.load %arg6[%swap3A_945, %swap3A_946, %swap3A_947, %swap3A_948] : memref<8x8x4x4xf32, #tpu.memory_space<vmem>>, vector<1x1x4x4xf32>
      %swap3A_950 = vector.shape_cast %swap3A_949 : vector<1x1x4x4xf32> to vector<4x4xf32>
      %swap3A_951 = vector.shape_cast %get3A_944 : vector<4x4xf32> to vector<1x1x4x4xf32>
      tpu.vector_store %arg6[%swap3A_945, %swap3A_946, %swap3A_947, %swap3A_948], %swap3A_951 {strides = array<i32>} : memref<8x8x4x4xf32, #tpu.memory_space<vmem>>, vector<1x1x4x4xf32>,
      %get3A_952 = arith.constant 62 : index
      %get3A_953 = memref.load %arg1[%get3A_952] : memref<64xi32, #tpu.memory_space<smem>>
      %get3A_954 = arith.constant 7 : index
      %get3A_955 = arith.index_cast %get3A_953 : i32 to index
      %get3A_956 = arith.constant 0 : index
      %get3A_957 = arith.constant 0 : index
      %get3A_958 = vector.load %arg3[%get3A_954, %get3A_955, %get3A_956, %get3A_957] : memref<8x16x4x4xf32, #tpu.memory_space<vmem>>, vector<1x1x4x4xf32>
      %get3A_959 = vector.shape_cast %get3A_958 : vector<1x1x4x4xf32> to vector<4x4xf32>
      %swap3A_960 = arith.constant 7 : index
      %swap3A_961 = arith.constant 6 : index
      %swap3A_962 = arith.constant 0 : index
      %swap3A_963 = arith.constant 0 : index
      %swap3A_964 = vector.load %arg6[%swap3A_960, %swap3A_961, %swap3A_962, %swap3A_963] : memref<8x8x4x4xf32, #tpu.memory_space<vmem>>, vector<1x1x4x4xf32>
      %swap3A_965 = vector.shape_cast %swap3A_964 : vector<1x1x4x4xf32> to vector<4x4xf32>
      %swap3A_966 = vector.shape_cast %get3A_959 : vector<4x4xf32> to vector<1x1x4x4xf32>
      tpu.vector_store %arg6[%swap3A_960, %swap3A_961, %swap3A_962, %swap3A_963], %swap3A_966 {strides = array<i32>} : memref<8x8x4x4xf32, #tpu.memory_space<vmem>>, vector<1x1x4x4xf32>,
      %get3A_967 = arith.constant 63 : index
      %get3A_968 = memref.load %arg1[%get3A_967] : memref<64xi32, #tpu.memory_space<smem>>
      %get3A_969 = arith.constant 7 : index
      %get3A_970 = arith.index_cast %get3A_968 : i32 to index
      %get3A_971 = arith.constant 0 : index
      %get3A_972 = arith.constant 0 : index
      %get3A_973 = vector.load %arg3[%get3A_969, %get3A_970, %get3A_971, %get3A_972] : memref<8x16x4x4xf32, #tpu.memory_space<vmem>>, vector<1x1x4x4xf32>
      %get3A_974 = vector.shape_cast %get3A_973 : vector<1x1x4x4xf32> to vector<4x4xf32>
      %swap3A_975 = arith.constant 7 : index
      %swap3A_976 = arith.constant 7 : index
      %swap3A_977 = arith.constant 0 : index
      %swap3A_978 = arith.constant 0 : index
      %swap3A_979 = vector.load %arg6[%swap3A_975, %swap3A_976, %swap3A_977, %swap3A_978] : memref<8x8x4x4xf32, #tpu.memory_space<vmem>>, vector<1x1x4x4xf32>
      %swap3A_980 = vector.shape_cast %swap3A_979 : vector<1x1x4x4xf32> to vector<4x4xf32>
      %swap3A_981 = vector.shape_cast %get3A_974 : vector<4x4xf32> to vector<1x1x4x4xf32>
      tpu.vector_store %arg6[%swap3A_975, %swap3A_976, %swap3A_977, %swap3A_978], %swap3A_981 {strides = array<i32>} : memref<8x8x4x4xf32, #tpu.memory_space<vmem>>, vector<1x1x4x4xf32>,
    } else {
    }
    return
  }
  func.func @transform_0(%arg0: i32) -> i32 {
    %c0_i32 = arith.constant 0 : i32
    %c0_i32_0 = arith.constant 0 : i32
    return %c0_i32 : i32
  }
  func.func @transform_1(%arg0: i32) -> (i32, i32, i32, i32, i32) {
    %jit3A = arith.constant 4 : i32
    %div3A = arith.divsi %arg0, %jit3A : i32
    %sign3A = arith.constant 0 : i32
    %sign3A_0 = arith.cmpi sgt, %arg0, %sign3A : i32
    %sign3A_1 = arith.extui %sign3A_0 : i1 to i32
    %sign3A_2 = arith.constant 0 : i32
    %sign3A_3 = arith.cmpi slt, %arg0, %sign3A_2 : i32
    %sign3A_4 = arith.extui %sign3A_3 : i1 to i32
    %sign3A_5 = arith.subi %sign3A_1, %sign3A_4 : i32
    %sign3A_6 = arith.constant 0 : i32
    %sign3A_7 = arith.cmpi sgt, %jit3A, %sign3A_6 : i32
    %sign3A_8 = arith.extui %sign3A_7 : i1 to i32
    %sign3A_9 = arith.constant 0 : i32
    %sign3A_10 = arith.cmpi slt, %jit3A, %sign3A_9 : i32
    %sign3A_11 = arith.extui %sign3A_10 : i1 to i32
    %sign3A_12 = arith.subi %sign3A_8, %sign3A_11 : i32
    %ne3A = arith.cmpi ne, %sign3A_5, %sign3A_12 : i32
    %rem3A = arith.remsi %arg0, %jit3A : i32
    %ne3A_13 = arith.constant 0 : i32
    %ne3A_14 = arith.cmpi ne, %rem3A, %ne3A_13 : i32
    %and3A = arith.andi %ne3A, %ne3A_14 : i1
    %sub3A = arith.constant 1 : i32
    %sub3A_15 = arith.subi %div3A, %sub3A : i32
    %select_n3A = arith.select %and3A, %sub3A_15, %div3A : i32
    %jit3A_16 = arith.constant 4 : i32
    %eq3A = arith.constant 0 : i32
    %eq3A_17 = arith.cmpi eq, %jit3A_16, %eq3A : i32
    %jit3A_18 = arith.constant 1 : i32
    %select_n3A_19 = arith.select %eq3A_17, %jit3A_18, %jit3A_16 : i32
    %rem3A_20 = arith.remsi %arg0, %select_n3A_19 : i32
    %ne3A_21 = arith.constant 0 : i32
    %ne3A_22 = arith.cmpi ne, %rem3A_20, %ne3A_21 : i32
    %lt3A = arith.constant 0 : i32
    %lt3A_23 = arith.cmpi slt, %rem3A_20, %lt3A : i32
    %lt3A_24 = arith.constant 0 : i32
    %lt3A_25 = arith.cmpi slt, %select_n3A_19, %lt3A_24 : i32
    %ne3A_26 = arith.xori %lt3A_23, %lt3A_25 : i1
    %and3A_27 = arith.andi %ne3A_26, %ne3A_22 : i1
    %add3A = arith.addi %rem3A_20, %select_n3A_19 : i32
    %select_n3A_28 = arith.select %and3A_27, %add3A, %rem3A_20 : i32
    %c0_i32 = arith.constant 0 : i32
    %c0_i32_29 = arith.constant 0 : i32
    %c0_i32_30 = arith.constant 0 : i32
    %c0_i32_31 = arith.constant 0 : i32
    return %select_n3A, %select_n3A_28, %c0_i32, %c0_i32_29, %c0_i32_30 : i32, i32, i32, i32, i32
  }
  func.func @transform_2(%arg0: i32) -> (i32, i32, i32, i32) {
    %c0_i32 = arith.constant 0 : i32
    %c0_i32_0 = arith.constant 0 : i32
    %c0_i32_1 = arith.constant 0 : i32
    %c0_i32_2 = arith.constant 0 : i32
    %c0_i32_3 = arith.constant 0 : i32
    return %c0_i32, %c0_i32_0, %c0_i32_1, %c0_i32_2 : i32, i32, i32, i32
  }
  func.func @transform_3(%arg0: i32) -> (i32, i32, i32, i32, i32) {
    %jit3A = arith.constant 4 : i32
    %div3A = arith.divsi %arg0, %jit3A : i32
    %sign3A = arith.constant 0 : i32
    %sign3A_0 = arith.cmpi sgt, %arg0, %sign3A : i32
    %sign3A_1 = arith.extui %sign3A_0 : i1 to i32
    %sign3A_2 = arith.constant 0 : i32
    %sign3A_3 = arith.cmpi slt, %arg0, %sign3A_2 : i32
    %sign3A_4 = arith.extui %sign3A_3 : i1 to i32
    %sign3A_5 = arith.subi %sign3A_1, %sign3A_4 : i32
    %sign3A_6 = arith.constant 0 : i32
    %sign3A_7 = arith.cmpi sgt, %jit3A, %sign3A_6 : i32
    %sign3A_8 = arith.extui %sign3A_7 : i1 to i32
    %sign3A_9 = arith.constant 0 : i32
    %sign3A_10 = arith.cmpi slt, %jit3A, %sign3A_9 : i32
    %sign3A_11 = arith.extui %sign3A_10 : i1 to i32
    %sign3A_12 = arith.subi %sign3A_8, %sign3A_11 : i32
    %ne3A = arith.cmpi ne, %sign3A_5, %sign3A_12 : i32
    %rem3A = arith.remsi %arg0, %jit3A : i32
    %ne3A_13 = arith.constant 0 : i32
    %ne3A_14 = arith.cmpi ne, %rem3A, %ne3A_13 : i32
    %and3A = arith.andi %ne3A, %ne3A_14 : i1
    %sub3A = arith.constant 1 : i32
    %sub3A_15 = arith.subi %div3A, %sub3A : i32
    %select_n3A = arith.select %and3A, %sub3A_15, %div3A : i32
    %jit3A_16 = arith.constant 4 : i32
    %eq3A = arith.constant 0 : i32
    %eq3A_17 = arith.cmpi eq, %jit3A_16, %eq3A : i32
    %jit3A_18 = arith.constant 1 : i32
    %select_n3A_19 = arith.select %eq3A_17, %jit3A_18, %jit3A_16 : i32
    %rem3A_20 = arith.remsi %arg0, %select_n3A_19 : i32
    %ne3A_21 = arith.constant 0 : i32
    %ne3A_22 = arith.cmpi ne, %rem3A_20, %ne3A_21 : i32
    %lt3A = arith.constant 0 : i32
    %lt3A_23 = arith.cmpi slt, %rem3A_20, %lt3A : i32
    %lt3A_24 = arith.constant 0 : i32
    %lt3A_25 = arith.cmpi slt, %select_n3A_19, %lt3A_24 : i32
    %ne3A_26 = arith.xori %lt3A_23, %lt3A_25 : i1
    %and3A_27 = arith.andi %ne3A_26, %ne3A_22 : i1
    %add3A = arith.addi %rem3A_20, %select_n3A_19 : i32
    %select_n3A_28 = arith.select %and3A_27, %add3A, %rem3A_20 : i32
    %c0_i32 = arith.constant 0 : i32
    %c0_i32_29 = arith.constant 0 : i32
    %c0_i32_30 = arith.constant 0 : i32
    %c0_i32_31 = arith.constant 0 : i32
    return %select_n3A, %select_n3A_28, %c0_i32, %c0_i32_29, %c0_i32_30 : i32, i32, i32, i32, i32
  }
  func.func @transform_4(%arg0: i32) -> (i32, i32, i32, i32) {
    %c0_i32 = arith.constant 0 : i32
    %c0_i32_0 = arith.constant 0 : i32
    %c0_i32_1 = arith.constant 0 : i32
    %c0_i32_2 = arith.constant 0 : i32
    %c0_i32_3 = arith.constant 0 : i32
    return %c0_i32, %c0_i32_0, %c0_i32_1, %c0_i32_2 : i32, i32, i32, i32
  }
  func.func @transform_5(%arg0: i32) -> (i32, i32, i32, i32) {
    %c0_i32 = arith.constant 0 : i32
    %c0_i32_0 = arith.constant 0 : i32
    %c0_i32_1 = arith.constant 0 : i32
    %c0_i32_2 = arith.constant 0 : i32
    %c0_i32_3 = arith.constant 0 : i32
    return %c0_i32, %c0_i32_0, %c0_i32_1, %c0_i32_2 : i32, i32, i32, i32
  }
}

</mosaic_0001>

<sc_bundles>
// kernel: kernel.4.cloned.1.call-start
scs
__scs_entry_jumppad:
0x0: {  	(pc) =	sbr.rel $0x88, $3  }
0x1: {  	(tag) =	ssettag $0x0;
	lr =	simm.s32 $0x1  }
0x2: {  	[smem:$0x3F9E] =	sst lr;
	_ =	strace $0xD0000000  }
0x3: {  	_ = 	snop  }
0x4: {  	_ = 	snop  }
0x5: {  	_ = 	snop  }
0x6: {  	_ = 	snop  }
0x7: {  	_ = 	snop  }
__scs_overlays_trampoline_lowered:
0x8: {  	[smem:$0x3FAD] =	sst s0  }
0x9: {  	[smem:$0x3FAE] =	sst s1  }
0xa: {  	[smem:$0x3FAF] =	sst s2  }
0xb: {  	[smem:$0x3FB0] =	sst s3  }
0xc: {  	[smem:$0x3FB1] =	sst s4  }
0xd: {  	[smem:$0x3FB2] =	sst s5  }
0xe: {  	[smem:$0x3FB3] =	sst s6  }
0xf: {  	[smem:$0x3FB4] =	sst s7  }
0x10: {  	[smem:$0x3FB5] =	sst s8  }
0x11: {  	[smem:$0x3FB6] =	sst s9;
	s0 =	simm.s32 @!p0 $0x0  }
0x12: {  	s1 =	sld [smem:$0x3F9C];
	s0 =	simm.s32 @p0 $0x1  }
0x13: {  	[smem:$0x3FB7] =	sst s0;
	s0 =	simm.s32 @!p1 $0x0  }
0x14: {  	s2 =	sld [smem:$0x3F9B];
	s0 =	simm.s32 @p1 $0x1  }
0x15: {  	[smem:$0x3FB8] =	sst s0;
	s0 =	simm.s32 @!p2 $0x0  }
0x16: {  	s3 =	sld [smem:$0x3FDB];
	s0 =	simm.s32 @p2 $0x1  }
0x17: {  	s4 =	simm.s32 $0x1BF5;
	[smem:$0x3FBA] =	sst s0  }
0x18: {  	s0 =	sld [smem:$0x3F9D];
	_ =	swait.ge [sflag:s4], $0x0  }
0x19: {  	s7 =	sld [smem:$0x3F9E]  }
0x1a: {  	s8 =	sadd.s32 $0xFFFFE003, lr  }
0x1b: {  	s9 =	sadd.s32 $0xFFFFFEF7, lr;
	s5 =	simm.s32 $0xFFFFFFFF;
	p2 =	slt.u32 s8, $0xFFFFF086  }
0x1c: {  	p1 =	slt.u32 s9, $0xF7A;
	s5 =	simm.s32 @!p2 $0x0  }
0x1d: {  	s5 =	simm.s32 @p1 $0x1;
	p0 =	seq.s32 s7, s2  }
0x1e: {  	s7 =	smul.u32 @!p0 $0xF7A, s2;
	p2 =	seq.s32 @!p0 s5, $0x0  }
0x1f: {  	s9 =	smul.u32 $0xF7A, s1;
	s8 =	simm.s32 @!p0 $0x1BF5;
	p2 =	por !p2, p0  }
0x20: {  	[sflag:s8] =	ssyncset.s32 @!p0 $0xFFFFF086;
	s6 =	sadd.s32 @!p0 s3, s7;
	s7 =	simm.s32 @!p0 $0x108  }
0x21: {  	s3 =	sadd.s32 s3, s9;
	s6 =	sadd.s32 @!p0 $0x88, s6;
	s7 =	simm.s32 @p2 $0x1082  }
0x22: {  	[simem:s7], [sflag:s8] =	dma.local @!p0 [hbm:s6], $0xF7A  }
0x23: {  	s9 =	sor.u32 $0xD0000000, s2;
	s6 =	simm.s32 $0x108;
	_ =	swait.ge @!p0 [sflag:s8], $0x0  }
0x24: {  	s3 =	sadd.s32 $0x88, s3;
	s6 =	simm.s32 @!p1 $0x1082;
	[sflag:s4] =	ssyncset.s32 $0xFFFFF086  }
0x25: {  	[simem:s6], [sflag:s4] =	dma.local [hbm:s3], $0xF7A  }
0x26: {  	[smem:$0x3F9E] =	sst s1;
	(tag) =	ssettag s2;
	_ =	strace s9  }
0x27: {  	s1 =	sld [smem:$0x3FAE]  }
0x28: {  	s2 =	sld [smem:$0x3FAF]  }
0x29: {  	s4 =	sld [smem:$0x3FB1]  }
0x2a: {  	p0 =	seq.s32 s5, $0x0;
	s5 =	sld [smem:$0x3FB2]  }
0x2b: {  	s6 =	sld [smem:$0x3FB3]  }
0x2c: {  	s7 =	sld [smem:$0x3FB4]  }
0x2d: {  	s3 =	simm.s32 $0x108;
	s8 =	sld [smem:$0x3FB5]  }
0x2e: {  	s3 =	simm.s32 @!p0 $0x1082;
	s9 =	sld [smem:$0x3FB6]  }
0x2f: {  	lr =	sadd.s32 s0, s3;
	s0 =	sld [smem:$0x3FAD]  }
0x30: {  	s3 =	sld [smem:$0x3FB0]  }
0x31: {  	[smem:$0x3FB9] =	sst s10  }
0x32: {  	s10 =	sld [smem:$0x3FB7];
	_ =	sdelay $0x3  }
0x33: {  	p0 =	seq.s32 s10, $0x1;
	s10 =	sld [smem:$0x3FB9];
	_ =	sdelay $0x3  }
0x34: {  	[smem:$0x3FB9] =	sst s10  }
0x35: {  	s10 =	sld [smem:$0x3FB8];
	_ =	sdelay $0x3  }
0x36: {  	p1 =	seq.s32 s10, $0x1;
	s10 =	sld [smem:$0x3FB9];
	_ =	sdelay $0x3  }
0x37: {  	[smem:$0x3FB9] =	sst s10  }
0x38: {  	s10 =	sld [smem:$0x3FBA]  }
0x39: {  	_ = 	snop;
	(pc) =	sbr.ind lr, $3  }
0x3a: {  	_ = 	snop  }
0x3b: {  	_ = 	snop  }
0x3c: {  	p2 =	seq.s32 s10, $0x1;
	s10 =	sld [smem:$0x3FB9]  }
0x3d: {  	_ =	shalt  }
0x3e: {  	_ =	shalt  }
0x3f: {  	_ =	shalt  }
0x40: {  	_ =	shalt  }
0x41: {  	_ =	shalt  }
0x42: {  	_ =	shalt  }
0x43: {  	_ =	shalt  }
0x44: {  	_ =	shalt  }
0x45: {  	_ =	shalt  }
0x46: {  	_ =	shalt  }
0x47: {  	_ =	shalt  }
0x48: {  	_ =	shalt  }
0x49: {  	_ =	shalt  }
0x4a: {  	_ =	shalt  }
0x4b: {  	_ =	shalt  }
0x4c: {  	_ =	shalt  }
0x4d: {  	_ =	shalt  }
0x4e: {  	_ =	shalt  }
0x4f: {  	_ =	shalt  }
0x50: {  	_ =	shalt  }
0x51: {  	_ =	shalt  }
0x52: {  	_ =	shalt  }
0x53: {  	_ =	shalt  }
0x54: {  	_ =	shalt  }
0x55: {  	_ =	shalt  }
0x56: {  	_ =	shalt  }
0x57: {  	_ =	shalt  }
0x58: {  	_ =	shalt  }
0x59: {  	_ =	shalt  }
0x5a: {  	_ =	shalt  }
0x5b: {  	_ =	shalt  }
0x5c: {  	_ =	shalt  }
0x5d: {  	_ =	shalt  }
0x5e: {  	_ =	shalt  }
0x5f: {  	_ =	shalt  }
0x60: {  	_ =	shalt  }
0x61: {  	_ =	shalt  }
0x62: {  	_ =	shalt  }
0x63: {  	_ =	shalt  }
0x64: {  	_ =	shalt  }
0x65: {  	_ =	shalt  }
0x66: {  	_ =	shalt  }
0x67: {  	_ =	shalt  }
0x68: {  	_ =	shalt  }
0x69: {  	_ =	shalt  }
0x6a: {  	_ =	shalt  }
0x6b: {  	_ =	shalt  }
0x6c: {  	_ =	shalt  }
0x6d: {  	_ =	shalt  }
0x6e: {  	_ =	shalt  }
0x6f: {  	_ =	shalt  }
0x70: {  	_ =	shalt  }
0x71: {  	_ =	shalt  }
0x72: {  	_ =	shalt  }
0x73: {  	_ =	shalt  }
0x74: {  	_ =	shalt  }
0x75: {  	_ =	shalt  }
0x76: {  	_ =	shalt  }
0x77: {  	_ =	shalt  }
0x78: {  	_ =	shalt  }
0x79: {  	_ =	shalt  }
0x7a: {  	_ =	shalt  }
0x7b: {  	_ =	shalt  }
0x7c: {  	_ =	shalt  }
0x7d: {  	_ =	shalt  }
0x7e: {  	_ =	shalt  }
0x7f: {  	_ =	shalt  }
0x80: {  	_ =	shalt  }
0x81: {  	_ =	shalt  }
0x82: {  	_ =	shalt  }
0x83: {  	_ =	shalt  }
0x84: {  	_ =	shalt  }
0x85: {  	_ =	shalt  }
0x86: {  	_ =	shalt  }
0x87: {  	_ =	shalt  }
.Lfunc_end0:
.L_simem_size_0:
called_computation_lowered:
.L_overlay_start_0:
0x88: {  	s2 =	sld [smem:$0x3FD9]  }
0x89: {  	s3 =	sld [smem:$0x3FFE];
	_ =	sdelay $0x1  }
0x8a: {  	s1 =	srdreg.scid  }
0x8b: {  	s0 =	sand.u32 $0x1, s1  }
0x8c: {  	s14 =	sshll.u32 s0, $0xA;
	s2 =	sadd.s32 s3, s2  }
0x8d: {  	s2 =	sadd.s32 s2, s14  }
0x8e: {  	[smem:$0x3FC5] =	sst s2  }
0x8f: {  	_ = 	snop  }
0x90: {  	s2 =	sld [smem:$0x3FD0];
	_ =	sdelay $0x2  }
0x91: {  	s4 =	simm.s32 $0xA;
	s5 =	simm.s32 $0x10;
	s15 =	sld [smem:$0x3FC9]  }
0x92: {  	[smem:s5], [sflag:s4] =	dma.local [hbm:s2], $0x1  }
0x93: {  	_ =	swait.eq [sflag:s4], $0x1  }
0x94: {  	[sflag:s4] =	ssyncset.done $0x0  }
0x95: {  	[sflag:s4] =	ssyncadd.s32 $0xFFFFFFFF  }
0x96: {  	s16 =	sld [smem:$0x12];
	(tm) =	ssettm $0x1  }
0x97: {  	s17 =	sld [smem:$0x3FFB];
	_ =	sdelay $0x3  }
0x98: {  	_ =	strace s17  }
0x99: {  	s4 =	sld [smem:$0x3FFC];
	_ =	sdelay $0x3  }
0x9a: {  	_ =	strace s4  }
0x9b: {  	s4 =	sld [smem:$0x3FFD];
	_ =	sdelay $0x3  }
0x9c: {  	_ =	strace s4  }
0x9d: {  	_ =	strace $0x8FFFFFFF  }
0x9e: {  	s18 =	sld [smem:$0x3FDB];
	_ =	sdelay $0x1  }
0x9f: {  	s19 =	simm.s32 $_scs_section_size  }
0xa0: {  	s6 =	simm.s32 $_size__tile_overlayer_lowered;
	s7 =	simm.s32 $_tile_overlayer_lowered  }
0xa1: {  	s22 =	simm.s32 $0x1BFF;
	s21 =	sshll.u32 s7, $0x1;
	s4 =	sadd.s32 s19, s18  }
0xa2: {  	s8 =	simm.s32 $0x0;
	s20 =	sshll.u32 s6, $0x1;
	s6 =	sadd.s32 s21, s4  }
0xa3: {  	[timem:s8], [sflag:s22] =	dma.local [hbm:s6], s20  }
0xa4: {  	_ =	swait.ge [sflag:s22], s20  }
0xa5: {  	s5 =	ssub.s32 $0x0, s20;
	[sflag:s22] =	ssyncset.done $0x0  }
0xa6: {  	[sflag:s22] =	ssyncadd.s32 s5;
	_ =	sdelay $0x1  }
0xa7: {  	s23 =	simm.s32 $0x1B8B  }
0xa8: {  	_ =	swait.ge [sflag:s23], $0x1  }
0xa9: {  	[sflag:s23] =	ssyncset.done $0x0  }
0xaa: {  	s25 =	simm.s32 $0x1B8E;
	s24 =	sld [smem:$0x3FFE];
	[sflag:s23] =	ssyncadd.s32 $0xFFFFFFFF  }
0xab: {  	s26 =	simm.s32 $execute0_lowered;
	[smem:$0x3FD2] =	sst s25  }
0xac: {  	s6 =	sshll.u32 s26, $0x1;
	_ =	strace $0x80000046;
	[dreg:$0x1] =	wrdreg $0xFFFFFFFF  }
0xad: {  	s28 =	simm.s32 $_size_execute0_lowered;
	s4 =	sadd.s32 s4, s6;
	[dreg:$0x0] =	wrdreg $0x0  }
0xae: {  	s6 =	sshll.u32 s28, $0x1;
	[dreg:$0x2] =	wrdreg s4  }
0xaf: {  	[dreg:$0x3] =	wrdreg s6  }
0xb0: {  	[dreg:$0x4] =	wrdreg $0xC0  }
0xb1: {  	_ =	task [dreg:s8], $0x5FFFF  }
0xb2: {  	[dreg:$0x1] =	wrdreg $0xFFFFFFFF  }
0xb3: {  	[dreg:$0x0] =	wrdreg $0x60  }
0xb4: {  	[dreg:$0x2] =	wrdreg s15  }
0xb5: {  	[dreg:$0x3] =	wrdreg s24  }
0xb6: {  	[dreg:$0x4] =	wrdreg s16  }
0xb7: {  	[dreg:$0x5] =	wrdreg $0x9  }
0xb8: {  	_ =	task.clear_ibuf [dreg:s8], $0x6FFFF;
	_ =	strace $0x90000046  }
0xb9: {  	s29 =	simm.s32 $0x9;
	_ =	strace $0x80000048  }
0xba: {  	_ =	swait.ge [sflag:s29], $0x1  }
0xbb: {  	[sflag:s29] =	ssyncadd.s32 $0xFFFFFFFF  }
0xbc: {  	_ =	strace $0x90000048  }
0xbd: {  	_ =	sfence  }
0xbe: {  	s30 =	sld [smem:$0x0];
	_ =	sdelay $0x2  }
0xbf: {  	s31 =	sshll.u32 s1, $0xD;
	s1 =	sshrl.u32 s1, $0x2  }
0xc0: {  	s3 =	sand.u32 $0x4000, s31;
	s1 =	sadd.s32 s1, s30  }
0xc1: {  	s0 =	sor.u32 s3, s0;
	s1 =	sshll.u32 s1, $0x11  }
0xc2: {  	s0 =	sor.u32 s1, s0  }
0xc3: {  	s0 =	sadd.s32 $0x8F2B, s0  }
0xc4: {  	[sflag:s0] =	ssyncadd.remote.s32 $0x1  }
0xc5: {  	_ =	sfence.sel $0xFFFF  }
0xc6: {  	[dreg:$0x0] =	wrdreg $0xFFFFFFFF;
	(pc) =	sbr.abs _section_cstart, $3  }
0xc7: {  	[dreg:$0x1] =	wrdreg $0xFFFFFFFF  }
0xc8: {  	_ =	task.clear_ibuf [dreg:s8], $0x2FFFF;
	_ =	strace $0x9FFFFFFF  }
0xc9: {  	(tm) =	ssettm $0x7FFFFFFF  }
tec
execute0_lowered:
.L_overlay_start_1:
0x0: {  	(tag) =	ssettag $0x1  }
0x1: {  	s3 =	rddreg [dreg:$0x0]  }
0x2: {  	s1 =	srdreg.scid;
	s4 =	rddreg [dreg:$0x1]  }
0x3: {  	s0 =	stileid.u32;
	s6 =	rddreg [dreg:$0x2]  }
0x4: {  	s16 =	simm.s32 $0x7;
	s10 =	simm.s32 $0x80;
	s12 =	simm.s32 $0x1  }
0x5: {  	s11 =	simm.s32 $0x2;
	p0 =	por $0x0, $0x0;
	s5 =	sand.u32 $0x1, s1  }
0x6: {  	s2 =	sshll.u32 s0, $0x2;
	s1 =	rddreg [dreg:$0x3];
	s7 =	sshll.u32 s5, $0x1  }
0x7: {  	s18 =	sshrl.u32 s0, $0x1;
	s4 =	sadd.s32 $0xA00, s4;
	s15 =	sor.u32 s7, s2  }
0x8: {  	s20 =	sadd.s32 $0x1000, s6;
	s9 =	smul.u32 $0x180000, s18;
	s8 =	sand.u32 $0x6, s15  }
0x9: {  	s13 =	sadd.s32 $0x1000, s3;
	s2 =	simm.s32 $0x0;
	s8 =	smul.u32 $0x30000, s8  }
0xa: {  	s5 =	ssub.s32 $0x2, s5;
	s7 =	smul.u32 $0x300000, s18;
	[smem:$0x7FF] =	sst s2  }
0xb: {  	_ =	strace $0x80000047;
	[dreg:$0x4] =	wrdreg s4;
	s8 =	sadd.s32 s9, s8  }
0xc: {  	s30 =	sshrl.u32 s5, $0x1;
	[dreg:$0x5] =	wrdreg s7;
	s19 =	sshrl.u32 s8, $0x3  }
0xd: {  	s18 =	rddreg [dreg:$0x4];
	s14 =	sadd.s32 s6, s19;
	s21 =	sadd.s32 s19, s20  }
0xe: {  	s5 =	ssub.s32 s5, s30;
	[dreg:$0x6] =	wrdreg s21;
	s22 =	sadd.s32 $0x2000, s14  }
0xf: {  	s17 =	smax.u32 s5, $0x1;
	s23 =	sadd.s32 $0x3000, s14;
	[dreg:$0x7] =	wrdreg s22  }
0x10: {  	s7 =	simm.s32 $0x10080;
	s24 =	sadd.s32 $0x4000, s14;
	[dreg:$0x8] =	wrdreg s23  }
0x11: {  	s4 =	sadd.s32 $0x6000, s19;
	s25 =	sadd.s32 $0x5000, s14;
	[dreg:$0x9] =	wrdreg s24  }
0x12: {  	s5 =	simm.s32 $0x5;
	s6 =	sadd.s32 s6, s4;
	[dreg:$0xa] =	wrdreg s25  }
0x13: {  	p1 =	sne.s32 s17, $0x1;
	s4 =	sadd.s32 s4, s20;
	[dreg:$0xb] =	wrdreg s6  }
.Ltmp0:
0x14: {  	s26 =	sadd.s32 $0x8000, s14;
	[dreg:$0xc] =	wrdreg s4;
	(pc) =	sbr.rel @!p1 .LBB2_3-.Ltmp0, $4  }
0x15: {  	s17 =	sadd.s32 $0xFFFFFFFF, s17;
	s28 =	sadd.s32 $0x9000, s14;
	[dreg:$0xd] =	wrdreg s26  }
0x16: {  	s9 =	simm.s32 $0x3;
	s29 =	sadd.s32 $0xA000, s14;
	[dreg:$0xe] =	wrdreg s28  }
0x17: {  	s8 =	simm.s32 $0x8080;
	s31 =	sadd.s32 $0xB000, s14;
	[dreg:$0xf] =	wrdreg s29  }
0x18: {  	[dreg:$0x10] =	wrdreg s31;
	s6 =	simm.s32 $0x4;
	s4 =	simm.s32 $0x6  }
0x19: {  	[tilespmem:s2], [sflag:$0x7] =	stream.linear.gather [hbm4b:s18+s2], $0x40, $0x38;
	[tilespmem:$0x18080] =	vst v63  }
0x1a: {  	_ =	swait.ge [sflag:s16], $0x40  }
0x1b: {  	[sflag:s16] =	ssyncset.done $0x0  }
0x1c: {  	[sflag:s16] =	ssyncadd.s32 $0xFFFFFFC0  }
0x1d: {  	v0 =	vld [tilespmem:s15+$0x0];
	_ =	sdelay $0x4  }
0x1e: {  	v0 =	vmul.u32 $0x30000, v0  }
0x1f: {  	s30 =	rddreg [dreg:$0x5]  }
0x20: {  	v0 =	vadd.s32 s30, v0  }
0x21: {  	(v2sf) =	vpush v0, $0x0;
	_ =	sdelay $0x9  }
0x22: {  	(v2sf) =	vpush v0, $0x1;
	_ =	sdelay $0x4  }
0x23: {  	s19 =	spop (v2sf)  }
0x24: {  	s31 =	sshrl.u32 s19, $0x3  }
0x25: {  	s20 =	sadd.s32 $0x10000, s19;
	s21 =	sadd.s32 s3, s31  }
0x26: {  	[tilespmem:s10], [sflag:$0x1] =	stream.linear.gather [hbm4b:s21+s2], $0x8000, $0x38;
	[tilespmem:$0x18080] =	vst v63  }
0x27: {  	s20 =	sshrl.u32 s20, $0x3;
	s18 =	sadd.s32 s31, s13  }
0x28: {  	[tilespmem:s8], [sflag:$0x2] =	stream.linear.gather [hbm4b:s18+s2], $0x8000, $0x38;
	[tilespmem:$0x18080] =	vst v63  }
0x29: {  	s22 =	sadd.s32 s3, s20  }
0x2a: {  	[tilespmem:s7], [sflag:$0x3] =	stream.linear.gather [hbm4b:s22+s2], $0x8000, $0x38;
	[tilespmem:$0x18080] =	vst v63  }
0x2b: {  	_ =	swait.ge [sflag:s12], $0x8000  }
0x2c: {  	[sflag:s12] =	ssyncset.done $0x0  }
0x2d: {  	s18 =	spop (v2sf);
	[sflag:s12] =	ssyncadd.s32 $0xFFFF8000  }
0x2e: {  	[hbm4b:s14+s2] =	stream.linear.scatter [tilespmem:s10], [sflag:$0x4], $0x8000, $0x38;
	[tilespmem:$0x18080] =	vst v63  }
0x2f: {  	s23 =	sadd.s32 $0x18000, s19;
	_ =	swait.ge [sflag:s6], $0x8000  }
0x30: {  	s20 =	sshrl.u32 s23, $0x3;
	[sflag:s6] =	ssyncset.done $0x0  }
0x31: {  	s20 =	sadd.s32 s3, s20;
	[sflag:s6] =	ssyncadd.s32 $0xFFFF8000  }
0x32: {  	[tilespmem:s10], [sflag:$0x1] =	stream.linear.gather [hbm4b:s20+s2], $0x8000, $0x38;
	[tilespmem:$0x18080] =	vst v63  }
0x33: {  	_ =	swait.ge [sflag:s11], $0x8000  }
0x34: {  	[sflag:s11] =	ssyncset.done $0x0  }
0x35: {  	s24 =	rddreg [dreg:$0x6];
	[sflag:s11] =	ssyncadd.s32 $0xFFFF8000  }
0x36: {  	[hbm4b:s24+s2] =	stream.linear.scatter [tilespmem:s8], [sflag:$0x5], $0x8000, $0x38;
	[tilespmem:$0x18080] =	vst v63  }
0x37: {  	s25 =	sadd.s32 $0x20000, s19;
	_ =	swait.ge [sflag:s5], $0x8000  }
0x38: {  	s20 =	sshrl.u32 s25, $0x3;
	[sflag:s5] =	ssyncset.done $0x0  }
0x39: {  	s20 =	sadd.s32 s3, s20;
	[sflag:s5] =	ssyncadd.s32 $0xFFFF8000  }
0x3a: {  	[tilespmem:s8], [sflag:$0x2] =	stream.linear.gather [hbm4b:s20+s2], $0x8000, $0x38;
	[tilespmem:$0x18080] =	vst v63  }
0x3b: {  	_ =	swait.ge [sflag:s9], $0x8000  }
0x3c: {  	[sflag:s9] =	ssyncset.done $0x0  }
0x3d: {  	s26 =	rddreg [dreg:$0x7];
	[sflag:s9] =	ssyncadd.s32 $0xFFFF8000  }
0x3e: {  	[hbm4b:s26+s2] =	stream.linear.scatter [tilespmem:s7], [sflag:$0x6], $0x8000, $0x38;
	[tilespmem:$0x18080] =	vst v63  }
0x3f: {  	s19 =	sadd.s32 $0x28000, s19;
	_ =	swait.ge [sflag:s4], $0x8000  }
0x40: {  	s19 =	sshrl.u32 s19, $0x3;
	[sflag:s4] =	ssyncset.done $0x0  }
0x41: {  	s19 =	sadd.s32 s3, s19;
	[sflag:s4] =	ssyncadd.s32 $0xFFFF8000  }
0x42: {  	[tilespmem:s7], [sflag:$0x3] =	stream.linear.gather [hbm4b:s19+s2], $0x8000, $0x38;
	[tilespmem:$0x18080] =	vst v63  }
0x43: {  	_ =	swait.ge [sflag:s12], $0x8000  }
0x44: {  	[sflag:s12] =	ssyncset.done $0x0  }
0x45: {  	s28 =	rddreg [dreg:$0x8];
	[sflag:s12] =	ssyncadd.s32 $0xFFFF8000  }
0x46: {  	[hbm4b:s28+s2] =	stream.linear.scatter [tilespmem:s10], [sflag:$0x4], $0x8000, $0x38;
	[tilespmem:$0x18080] =	vst v63  }
0x47: {  	_ =	swait.ge [sflag:s6], $0x8000  }
0x48: {  	s29 =	sshrl.u32 s18, $0x3;
	[sflag:s6] =	ssyncset.done $0x0  }
0x49: {  	s30 =	sadd.s32 s3, s29;
	[sflag:s6] =	ssyncadd.s32 $0xFFFF8000  }
0x4a: {  	[tilespmem:s10], [sflag:$0x1] =	stream.linear.gather [hbm4b:s30+s2], $0x8000, $0x38;
	[tilespmem:$0x18080] =	vst v63  }
0x4b: {  	_ =	swait.ge [sflag:s11], $0x8000  }
0x4c: {  	[sflag:s11] =	ssyncset.done $0x0  }
0x4d: {  	s31 =	rddreg [dreg:$0x9];
	[sflag:s11] =	ssyncadd.s32 $0xFFFF8000  }
0x4e: {  	[hbm4b:s31+s2] =	stream.linear.scatter [tilespmem:s8], [sflag:$0x5], $0x8000, $0x38;
	[tilespmem:$0x18080] =	vst v63  }
0x4f: {  	_ =	swait.ge [sflag:s5], $0x8000  }
0x50: {  	[sflag:s5] =	ssyncset.done $0x0  }
0x51: {  	s19 =	sadd.s32 s29, s13;
	[sflag:s5] =	ssyncadd.s32 $0xFFFF8000  }
0x52: {  	[tilespmem:s8], [sflag:$0x2] =	stream.linear.gather [hbm4b:s19+s2], $0x8000, $0x38;
	[tilespmem:$0x18080] =	vst v63  }
0x53: {  	_ =	swait.ge [sflag:s9], $0x8000  }
0x54: {  	[sflag:s9] =	ssyncset.done $0x0  }
0x55: {  	s21 =	rddreg [dreg:$0xa];
	[sflag:s9] =	ssyncadd.s32 $0xFFFF8000  }
0x56: {  	[hbm4b:s21+s2] =	stream.linear.scatter [tilespmem:s7], [sflag:$0x6], $0x8000, $0x38;
	[tilespmem:$0x18080] =	vst v63  }
0x57: {  	s22 =	sadd.s32 $0x10000, s18;
	_ =	swait.ge [sflag:s4], $0x8000  }
0x58: {  	s19 =	sshrl.u32 s22, $0x3;
	[sflag:s4] =	ssyncset.done $0x0  }
0x59: {  	s19 =	sadd.s32 s3, s19;
	[sflag:s4] =	ssyncadd.s32 $0xFFFF8000  }
0x5a: {  	[tilespmem:s7], [sflag:$0x3] =	stream.linear.gather [hbm4b:s19+s2], $0x8000, $0x38;
	[tilespmem:$0x18080] =	vst v63  }
0x5b: {  	_ =	swait.ge [sflag:s12], $0x8000  }
0x5c: {  	[sflag:s12] =	ssyncset.done $0x0  }
0x5d: {  	s23 =	rddreg [dreg:$0xb];
	[sflag:s12] =	ssyncadd.s32 $0xFFFF8000  }
0x5e: {  	[hbm4b:s23+s2] =	stream.linear.scatter [tilespmem:s10], [sflag:$0x4], $0x8000, $0x38;
	[tilespmem:$0x18080] =	vst v63  }
0x5f: {  	s24 =	sadd.s32 $0x18000, s18;
	_ =	swait.ge [sflag:s6], $0x8000  }
0x60: {  	s19 =	sshrl.u32 s24, $0x3;
	[sflag:s6] =	ssyncset.done $0x0  }
0x61: {  	s19 =	sadd.s32 s3, s19;
	[sflag:s6] =	ssyncadd.s32 $0xFFFF8000  }
0x62: {  	[tilespmem:s10], [sflag:$0x1] =	stream.linear.gather [hbm4b:s19+s2], $0x8000, $0x38;
	[tilespmem:$0x18080] =	vst v63  }
0x63: {  	_ =	swait.ge [sflag:s11], $0x8000  }
0x64: {  	[sflag:s11] =	ssyncset.done $0x0  }
0x65: {  	s25 =	rddreg [dreg:$0xc];
	[sflag:s11] =	ssyncadd.s32 $0xFFFF8000  }
0x66: {  	[hbm4b:s25+s2] =	stream.linear.scatter [tilespmem:s8], [sflag:$0x5], $0x8000, $0x38;
	[tilespmem:$0x18080] =	vst v63  }
0x67: {  	s26 =	sadd.s32 $0x20000, s18;
	_ =	swait.ge [sflag:s5], $0x8000  }
0x68: {  	s19 =	sshrl.u32 s26, $0x3;
	[sflag:s5] =	ssyncset.done $0x0  }
0x69: {  	s19 =	sadd.s32 s3, s19;
	[sflag:s5] =	ssyncadd.s32 $0xFFFF8000  }
0x6a: {  	[tilespmem:s8], [sflag:$0x2] =	stream.linear.gather [hbm4b:s19+s2], $0x8000, $0x38;
	[tilespmem:$0x18080] =	vst v63  }
0x6b: {  	_ =	swait.ge [sflag:s9], $0x8000  }
0x6c: {  	[sflag:s9] =	ssyncset.done $0x0  }
0x6d: {  	s28 =	rddreg [dreg:$0xd];
	[sflag:s9] =	ssyncadd.s32 $0xFFFF8000  }
0x6e: {  	[hbm4b:s28+s2] =	stream.linear.scatter [tilespmem:s7], [sflag:$0x6], $0x8000, $0x38;
	[tilespmem:$0x18080] =	vst v63  }
0x6f: {  	s18 =	sadd.s32 $0x28000, s18;
	_ =	swait.ge [sflag:s4], $0x8000  }
0x70: {  	s18 =	sshrl.u32 s18, $0x3;
	[sflag:s4] =	ssyncset.done $0x0  }
0x71: {  	s18 =	sadd.s32 s3, s18;
	[sflag:s4] =	ssyncadd.s32 $0xFFFF8000  }
0x72: {  	[tilespmem:s7], [sflag:$0x3] =	stream.linear.gather [hbm4b:s18+s2], $0x8000, $0x38;
	[tilespmem:$0x18080] =	vst v63  }
0x73: {  	_ =	swait.ge [sflag:s12], $0x8000  }
0x74: {  	[sflag:s12] =	ssyncset.done $0x0  }
0x75: {  	s29 =	rddreg [dreg:$0xe];
	[sflag:s12] =	ssyncadd.s32 $0xFFFF8000  }
0x76: {  	[hbm4b:s29+s2] =	stream.linear.scatter [tilespmem:s10], [sflag:$0x4], $0x8000, $0x38;
	[tilespmem:$0x18080] =	vst v63  }
0x77: {  	_ =	swait.ge [sflag:s11], $0x8000  }
0x78: {  	[sflag:s11] =	ssyncset.done $0x0  }
0x79: {  	s30 =	rddreg [dreg:$0xf];
	[sflag:s11] =	ssyncadd.s32 $0xFFFF8000  }
0x7a: {  	[hbm4b:s30+s2] =	stream.linear.scatter [tilespmem:s8], [sflag:$0x5], $0x8000, $0x38;
	[tilespmem:$0x18080] =	vst v63  }
0x7b: {  	_ =	swait.ge [sflag:s9], $0x8000  }
0x7c: {  	[sflag:s9] =	ssyncset.done $0x0  }
0x7d: {  	s31 =	rddreg [dreg:$0x10];
	[sflag:s9] =	ssyncadd.s32 $0xFFFF8000  }
0x7e: {  	[hbm4b:s31+s2] =	stream.linear.scatter [tilespmem:s7], [sflag:$0x6], $0x8000, $0x38;
	[tilespmem:$0x18080] =	vst v63  }
0x7f: {  	_ =	swait.ge [sflag:s6], $0x8000  }
0x80: {  	[sflag:s6] =	ssyncset.done $0x0  }
0x81: {  	p1 =	sne.s32 s17, $0x1;
	[sflag:s6] =	ssyncadd.s32 $0xFFFF8000  }
.Ltmp1:
0x82: {  	_ =	swait.ge [sflag:s5], $0x8000;
	(pc) =	sbr.rel @!p1 .LBB2_3-.Ltmp1, $4  }
0x83: {  	[sflag:s5] =	ssyncset.done $0x0  }
0x84: {  	[sflag:s5] =	ssyncadd.s32 $0xFFFF8000  }
0x85: {  	s17 =	sadd.s32 $0xFFFFFFFF, s17;
	_ =	swait.ge [sflag:s4], $0x8000  }
0x86: {  	p0 =	por $0x1, $0x1;
	s18 =	rddreg [dreg:$0x4];
	[sflag:s4] =	ssyncset.done $0x0  }
.LBB2_2:
0x87: {  	[sflag:s4] =	ssyncadd.s32 $0xFFFF8000  }
0x88: {  	[tilespmem:s2], [sflag:$0x7] =	stream.linear.gather [hbm4b:s18+s2], $0x40, $0x38;
	[tilespmem:$0x18080] =	vst v63  }
0x89: {  	_ =	swait.ge [sflag:s16], $0x40  }
0x8a: {  	[sflag:s16] =	ssyncset.done $0x0  }
0x8b: {  	[sflag:s16] =	ssyncadd.s32 $0xFFFFFFC0  }
0x8c: {  	v0 =	vld [tilespmem:s15+$0x0];
	_ =	sdelay $0x4  }
0x8d: {  	v0 =	vmul.u32 $0x30000, v0  }
0x8e: {  	s29 =	rddreg [dreg:$0x5]  }
0x8f: {  	v0 =	vadd.s32 s29, v0  }
0x90: {  	(v2sf) =	vpush v0, $0x0;
	_ =	sdelay $0x9  }
0x91: {  	(v2sf) =	vpush v0, $0x1;
	_ =	sdelay $0x4  }
0x92: {  	s30 =	spop (v2sf)  }
0x93: {  	s19 =	sshrl.u32 s30, $0x3  }
0x94: {  	s20 =	sadd.s32 $0x10000, s30;
	s22 =	sadd.s32 s3, s19  }
0x95: {  	[tilespmem:s10], [sflag:$0x1] =	stream.linear.gather [hbm4b:s22+s2], $0x8000, $0x38;
	[tilespmem:$0x18080] =	vst v63  }
0x96: {  	s20 =	sshrl.u32 s20, $0x3;
	s19 =	sadd.s32 s19, s13  }
0x97: {  	[tilespmem:s8], [sflag:$0x2] =	stream.linear.gather [hbm4b:s19+s2], $0x8000, $0x38;
	[tilespmem:$0x18080] =	vst v63  }
0x98: {  	s22 =	sadd.s32 s3, s20  }
0x99: {  	[tilespmem:s7], [sflag:$0x3] =	stream.linear.gather [hbm4b:s22+s2], $0x8000, $0x38;
	[tilespmem:$0x18080] =	vst v63  }
0x9a: {  	_ =	swait.ge [sflag:s12], $0x8000  }
0x9b: {  	[sflag:s12] =	ssyncset.done $0x0  }
0x9c: {  	s26 =	spop (v2sf);
	[sflag:s12] =	ssyncadd.s32 $0xFFFF8000  }
0x9d: {  	[hbm4b:s14+s2] =	stream.linear.scatter [tilespmem:s10], [sflag:$0x4], $0x8000, $0x38;
	[tilespmem:$0x18080] =	vst v63  }
0x9e: {  	s21 =	sadd.s32 $0x18000, s30;
	_ =	swait.ge [sflag:s6], $0x8000  }
0x9f: {  	s24 =	sshrl.u32 s21, $0x3;
	[sflag:s6] =	ssyncset.done $0x0  }
0xa0: {  	s24 =	sadd.s32 s3, s24;
	[sflag:s6] =	ssyncadd.s32 $0xFFFF8000  }
0xa1: {  	[tilespmem:s10], [sflag:$0x1] =	stream.linear.gather [hbm4b:s24+s2], $0x8000, $0x38;
	[tilespmem:$0x18080] =	vst v63  }
0xa2: {  	s31 =	sadd.s32 $0x20000, s30;
	_ =	swait.ge [sflag:s11], $0x8000  }
0xa3: {  	s18 =	sadd.s32 $0x28000, s30;
	s25 =	sshrl.u32 s31, $0x3;
	[sflag:s11] =	ssyncset.done $0x0  }
0xa4: {  	s23 =	sshrl.u32 s18, $0x3;
	s31 =	rddreg [dreg:$0x6];
	[sflag:s11] =	ssyncadd.s32 $0xFFFF8000  }
0xa5: {  	[hbm4b:s31+s2] =	stream.linear.scatter [tilespmem:s8], [sflag:$0x5], $0x8000, $0x38;
	[tilespmem:$0x18080] =	vst v63  }
0xa6: {  	s22 =	sshrl.u32 s26, $0x3;
	s28 =	sadd.s32 $0x10000, s26;
	_ =	swait.ge [sflag:s5], $0x8000  }
0xa7: {  	s29 =	sadd.s32 $0x18000, s26;
	s30 =	sadd.s32 $0x20000, s26;
	[sflag:s5] =	ssyncset.done $0x0  }
0xa8: {  	s18 =	sadd.s32 $0x28000, s26;
	s26 =	sadd.s32 s3, s25;
	[sflag:s5] =	ssyncadd.s32 $0xFFFF8000  }
0xa9: {  	[tilespmem:s8], [sflag:$0x2] =	stream.linear.gather [hbm4b:s26+s2], $0x8000, $0x38;
	[tilespmem:$0x18080] =	vst v63  }
0xaa: {  	_ =	swait.ge [sflag:s9], $0x8000  }
0xab: {  	[sflag:s9] =	ssyncset.done $0x0  }
0xac: {  	s21 =	sshrl.u32 s28, $0x3;
	s28 =	rddreg [dreg:$0x7];
	[sflag:s9] =	ssyncadd.s32 $0xFFFF8000  }
0xad: {  	[hbm4b:s28+s2] =	stream.linear.scatter [tilespmem:s7], [sflag:$0x6], $0x8000, $0x38;
	[tilespmem:$0x18080] =	vst v63  }
0xae: {  	_ =	swait.ge [sflag:s4], $0x8000  }
0xaf: {  	[sflag:s4] =	ssyncset.done $0x0  }
0xb0: {  	s23 =	sadd.s32 s3, s23;
	[sflag:s4] =	ssyncadd.s32 $0xFFFF8000  }
0xb1: {  	[tilespmem:s7], [sflag:$0x3] =	stream.linear.gather [hbm4b:s23+s2], $0x8000, $0x38;
	[tilespmem:$0x18080] =	vst v63  }
0xb2: {  	_ =	swait.ge [sflag:s12], $0x8000  }
0xb3: {  	[sflag:s12] =	ssyncset.done $0x0  }
0xb4: {  	s20 =	sshrl.u32 s29, $0x3;
	s29 =	rddreg [dreg:$0x8];
	[sflag:s12] =	ssyncadd.s32 $0xFFFF8000  }
0xb5: {  	[hbm4b:s29+s2] =	stream.linear.scatter [tilespmem:s10], [sflag:$0x4], $0x8000, $0x38;
	[tilespmem:$0x18080] =	vst v63  }
0xb6: {  	_ =	swait.ge [sflag:s6], $0x8000  }
0xb7: {  	[sflag:s6] =	ssyncset.done $0x0  }
0xb8: {  	s19 =	sshrl.u32 s30, $0x3;
	s30 =	sadd.s32 s3, s22;
	[sflag:s6] =	ssyncadd.s32 $0xFFFF8000  }
0xb9: {  	[tilespmem:s10], [sflag:$0x1] =	stream.linear.gather [hbm4b:s30+s2], $0x8000, $0x38;
	[tilespmem:$0x18080] =	vst v63  }
0xba: {  	_ =	swait.ge [sflag:s11], $0x8000  }
0xbb: {  	[sflag:s11] =	ssyncset.done $0x0  }
0xbc: {  	s31 =	rddreg [dreg:$0x9];
	[sflag:s11] =	ssyncadd.s32 $0xFFFF8000  }
0xbd: {  	[hbm4b:s31+s2] =	stream.linear.scatter [tilespmem:s8], [sflag:$0x5], $0x8000, $0x38;
	[tilespmem:$0x18080] =	vst v63  }
0xbe: {  	_ =	swait.ge [sflag:s5], $0x8000  }
0xbf: {  	[sflag:s5] =	ssyncset.done $0x0  }
0xc0: {  	s22 =	sadd.s32 s22, s13;
	[sflag:s5] =	ssyncadd.s32 $0xFFFF8000  }
0xc1: {  	[tilespmem:s8], [sflag:$0x2] =	stream.linear.gather [hbm4b:s22+s2], $0x8000, $0x38;
	[tilespmem:$0x18080] =	vst v63  }
0xc2: {  	_ =	swait.ge [sflag:s9], $0x8000  }
0xc3: {  	[sflag:s9] =	ssyncset.done $0x0  }
0xc4: {  	s24 =	rddreg [dreg:$0xa];
	[sflag:s9] =	ssyncadd.s32 $0xFFFF8000  }
0xc5: {  	[hbm4b:s24+s2] =	stream.linear.scatter [tilespmem:s7], [sflag:$0x6], $0x8000, $0x38;
	[tilespmem:$0x18080] =	vst v63  }
0xc6: {  	_ =	swait.ge [sflag:s4], $0x8000  }
0xc7: {  	[sflag:s4] =	ssyncset.done $0x0  }
0xc8: {  	s21 =	sadd.s32 s3, s21;
	[sflag:s4] =	ssyncadd.s32 $0xFFFF8000  }
0xc9: {  	[tilespmem:s7], [sflag:$0x3] =	stream.linear.gather [hbm4b:s21+s2], $0x8000, $0x38;
	[tilespmem:$0x18080] =	vst v63  }
0xca: {  	_ =	swait.ge [sflag:s12], $0x8000  }
0xcb: {  	[sflag:s12] =	ssyncset.done $0x0  }
0xcc: {  	s25 =	rddreg [dreg:$0xb];
	[sflag:s12] =	ssyncadd.s32 $0xFFFF8000  }
0xcd: {  	[hbm4b:s25+s2] =	stream.linear.scatter [tilespmem:s10], [sflag:$0x4], $0x8000, $0x38;
	[tilespmem:$0x18080] =	vst v63  }
0xce: {  	_ =	swait.ge [sflag:s6], $0x8000  }
0xcf: {  	[sflag:s6] =	ssyncset.done $0x0  }
0xd0: {  	s20 =	sadd.s32 s3, s20;
	[sflag:s6] =	ssyncadd.s32 $0xFFFF8000  }
0xd1: {  	[tilespmem:s10], [sflag:$0x1] =	stream.linear.gather [hbm4b:s20+s2], $0x8000, $0x38;
	[tilespmem:$0x18080] =	vst v63  }
0xd2: {  	_ =	swait.ge [sflag:s11], $0x8000  }
0xd3: {  	[sflag:s11] =	ssyncset.done $0x0  }
0xd4: {  	s26 =	rddreg [dreg:$0xc];
	[sflag:s11] =	ssyncadd.s32 $0xFFFF8000  }
0xd5: {  	[hbm4b:s26+s2] =	stream.linear.scatter [tilespmem:s8], [sflag:$0x5], $0x8000, $0x38;
	[tilespmem:$0x18080] =	vst v63  }
0xd6: {  	_ =	swait.ge [sflag:s5], $0x8000  }
0xd7: {  	[sflag:s5] =	ssyncset.done $0x0  }
0xd8: {  	s19 =	sadd.s32 s3, s19;
	[sflag:s5] =	ssyncadd.s32 $0xFFFF8000  }
0xd9: {  	[tilespmem:s8], [sflag:$0x2] =	stream.linear.gather [hbm4b:s19+s2], $0x8000, $0x38;
	[tilespmem:$0x18080] =	vst v63  }
0xda: {  	_ =	swait.ge [sflag:s9], $0x8000  }
0xdb: {  	[sflag:s9] =	ssyncset.done $0x0  }
0xdc: {  	s28 =	rddreg [dreg:$0xd];
	[sflag:s9] =	ssyncadd.s32 $0xFFFF8000  }
0xdd: {  	[hbm4b:s28+s2] =	stream.linear.scatter [tilespmem:s7], [sflag:$0x6], $0x8000, $0x38;
	[tilespmem:$0x18080] =	vst v63  }
0xde: {  	_ =	swait.ge [sflag:s4], $0x8000  }
0xdf: {  	s18 =	sshrl.u32 s18, $0x3;
	[sflag:s4] =	ssyncset.done $0x0  }
0xe0: {  	s18 =	sadd.s32 s3, s18;
	[sflag:s4] =	ssyncadd.s32 $0xFFFF8000  }
0xe1: {  	[tilespmem:s7], [sflag:$0x3] =	stream.linear.gather [hbm4b:s18+s2], $0x8000, $0x38;
	[tilespmem:$0x18080] =	vst v63  }
0xe2: {  	_ =	swait.ge [sflag:s12], $0x8000  }
0xe3: {  	[sflag:s12] =	ssyncset.done $0x0  }
0xe4: {  	s29 =	rddreg [dreg:$0xe];
	[sflag:s12] =	ssyncadd.s32 $0xFFFF8000  }
0xe5: {  	[hbm4b:s29+s2] =	stream.linear.scatter [tilespmem:s10], [sflag:$0x4], $0x8000, $0x38;
	[tilespmem:$0x18080] =	vst v63  }
0xe6: {  	_ =	swait.ge [sflag:s11], $0x8000  }
0xe7: {  	[sflag:s11] =	ssyncset.done $0x0  }
0xe8: {  	s30 =	rddreg [dreg:$0xf];
	[sflag:s11] =	ssyncadd.s32 $0xFFFF8000  }
0xe9: {  	[hbm4b:s30+s2] =	stream.linear.scatter [tilespmem:s8], [sflag:$0x5], $0x8000, $0x38;
	[tilespmem:$0x18080] =	vst v63  }
0xea: {  	_ =	swait.ge [sflag:s9], $0x8000  }
0xeb: {  	[sflag:s9] =	ssyncset.done $0x0  }
0xec: {  	s31 =	rddreg [dreg:$0x10];
	[sflag:s9] =	ssyncadd.s32 $0xFFFF8000  }
0xed: {  	[hbm4b:s31+s2] =	stream.linear.scatter [tilespmem:s7], [sflag:$0x6], $0x8000, $0x38;
	[tilespmem:$0x18080] =	vst v63  }
0xee: {  	_ =	swait.ge [sflag:s6], $0x8000  }
0xef: {  	[sflag:s6] =	ssyncset.done $0x0  }
0xf0: {  	p1 =	sne.s32 s17, $0x1;
	[sflag:s6] =	ssyncadd.s32 $0xFFFF8000  }
.Ltmp2:
0xf1: {  	_ =	swait.ge [sflag:s5], $0x8000;
	(pc) =	sbr.rel @p1 .LBB2_2-.Ltmp2, $4  }
0xf2: {  	[sflag:s5] =	ssyncset.done $0x0  }
0xf3: {  	[sflag:s5] =	ssyncadd.s32 $0xFFFF8000  }
0xf4: {  	_ =	swait.ge [sflag:s4], $0x8000  }
0xf5: {  	s17 =	sadd.s32 $0xFFFFFFFF, s17;
	s18 =	rddreg [dreg:$0x4];
	[sflag:s4] =	ssyncset.done $0x0  }
.LBB2_3:
0xf6: {  	[sflag:s4] =	ssyncadd.s32 @p0 $0xFFFF8000  }
0xf7: {  	[tilespmem:s2], [sflag:$0x7] =	stream.linear.gather [hbm4b:s18+s2], $0x40, $0x38;
	[tilespmem:$0x18080] =	vst v63  }
0xf8: {  	_ =	swait.ge [sflag:s16], $0x40  }
0xf9: {  	[sflag:s16] =	ssyncset.done $0x0  }
0xfa: {  	[sflag:s16] =	ssyncadd.s32 $0xFFFFFFC0  }
0xfb: {  	v0 =	vld [tilespmem:s15+$0x0];
	_ =	sdelay $0x4  }
0xfc: {  	v0 =	vmul.u32 $0x30000, v0  }
0xfd: {  	s18 =	rddreg [dreg:$0x5]  }
0xfe: {  	v0 =	vadd.s32 s18, v0  }
0xff: {  	(v2sf) =	vpush v0, $0x0;
	_ =	sdelay $0x9  }
0x100: {  	(v2sf) =	vpush v0, $0x1;
	_ =	sdelay $0x4  }
0x101: {  	s19 =	spop (v2sf)  }
0x102: {  	s20 =	sshrl.u32 s19, $0x3  }
0x103: {  	s17 =	sadd.s32 $0x10000, s19;
	s21 =	sadd.s32 s3, s20  }
0x104: {  	[tilespmem:s10], [sflag:$0x1] =	stream.linear.gather [hbm4b:s21+s2], $0x8000, $0x38;
	[tilespmem:$0x18080] =	vst v63  }
0x105: {  	s17 =	sshrl.u32 s17, $0x3;
	s15 =	sadd.s32 s20, s13  }
0x106: {  	[tilespmem:s8], [sflag:$0x2] =	stream.linear.gather [hbm4b:s15+s2], $0x8000, $0x38;
	[tilespmem:$0x18080] =	vst v63  }
0x107: {  	s22 =	sadd.s32 s3, s17  }
0x108: {  	[tilespmem:s7], [sflag:$0x3] =	stream.linear.gather [hbm4b:s22+s2], $0x8000, $0x38;
	[tilespmem:$0x18080] =	vst v63  }
0x109: {  	_ =	swait.ge [sflag:s12], $0x8000  }
0x10a: {  	[sflag:s12] =	ssyncset.done $0x0  }
0x10b: {  	s15 =	spop (v2sf);
	[sflag:s12] =	ssyncadd.s32 $0xFFFF8000  }
0x10c: {  	[hbm4b:s14+s2] =	stream.linear.scatter [tilespmem:s10], [sflag:$0x4], $0x8000, $0x38;
	[tilespmem:$0x18080] =	vst v63  }
0x10d: {  	s23 =	sadd.s32 $0x18000, s19;
	_ =	swait.ge [sflag:s6], $0x8000  }
0x10e: {  	s14 =	sshrl.u32 s23, $0x3;
	[sflag:s6] =	ssyncset.done $0x0  }
0x10f: {  	s14 =	sadd.s32 s3, s14;
	[sflag:s6] =	ssyncadd.s32 $0xFFFF8000  }
0x110: {  	[tilespmem:s10], [sflag:$0x1] =	stream.linear.gather [hbm4b:s14+s2], $0x8000, $0x38;
	[tilespmem:$0x18080] =	vst v63  }
0x111: {  	_ =	swait.ge [sflag:s11], $0x8000  }
0x112: {  	[sflag:s11] =	ssyncset.done $0x0  }
0x113: {  	s24 =	rddreg [dreg:$0x6];
	[sflag:s11] =	ssyncadd.s32 $0xFFFF8000  }
0x114: {  	[hbm4b:s24+s2] =	stream.linear.scatter [tilespmem:s8], [sflag:$0x5], $0x8000, $0x38;
	[tilespmem:$0x18080] =	vst v63  }
0x115: {  	s25 =	sadd.s32 $0x20000, s19;
	_ =	swait.ge [sflag:s5], $0x8000  }
0x116: {  	s14 =	sshrl.u32 s25, $0x3;
	[sflag:s5] =	ssyncset.done $0x0  }
0x117: {  	s14 =	sadd.s32 s3, s14;
	[sflag:s5] =	ssyncadd.s32 $0xFFFF8000  }
0x118: {  	[tilespmem:s8], [sflag:$0x2] =	stream.linear.gather [hbm4b:s14+s2], $0x8000, $0x38;
	[tilespmem:$0x18080] =	vst v63  }
0x119: {  	_ =	swait.ge [sflag:s9], $0x8000  }
0x11a: {  	[sflag:s9] =	ssyncset.done $0x0  }
0x11b: {  	s26 =	rddreg [dreg:$0x7];
	[sflag:s9] =	ssyncadd.s32 $0xFFFF8000  }
0x11c: {  	[hbm4b:s26+s2] =	stream.linear.scatter [tilespmem:s7], [sflag:$0x6], $0x8000, $0x38;
	[tilespmem:$0x18080] =	vst v63  }
0x11d: {  	s28 =	sadd.s32 $0x28000, s19;
	_ =	swait.ge [sflag:s4], $0x8000  }
0x11e: {  	s14 =	sshrl.u32 s28, $0x3;
	[sflag:s4] =	ssyncset.done $0x0  }
0x11f: {  	s14 =	sadd.s32 s3, s14;
	[sflag:s4] =	ssyncadd.s32 $0xFFFF8000  }
0x120: {  	[tilespmem:s7], [sflag:$0x3] =	stream.linear.gather [hbm4b:s14+s2], $0x8000, $0x38;
	[tilespmem:$0x18080] =	vst v63  }
0x121: {  	_ =	swait.ge [sflag:s12], $0x8000  }
0x122: {  	[sflag:s12] =	ssyncset.done $0x0  }
0x123: {  	s29 =	rddreg [dreg:$0x8];
	[sflag:s12] =	ssyncadd.s32 $0xFFFF8000  }
0x124: {  	[hbm4b:s29+s2] =	stream.linear.scatter [tilespmem:s10], [sflag:$0x4], $0x8000, $0x38;
	[tilespmem:$0x18080] =	vst v63  }
0x125: {  	_ =	swait.ge [sflag:s6], $0x8000  }
0x126: {  	s30 =	sshrl.u32 s15, $0x3;
	[sflag:s6] =	ssyncset.done $0x0  }
0x127: {  	s31 =	sadd.s32 s3, s30;
	[sflag:s6] =	ssyncadd.s32 $0xFFFF8000  }
0x128: {  	[tilespmem:s10], [sflag:$0x1] =	stream.linear.gather [hbm4b:s31+s2], $0x8000, $0x38;
	[tilespmem:$0x18080] =	vst v63  }
0x129: {  	_ =	swait.ge [sflag:s11], $0x8000  }
0x12a: {  	[sflag:s11] =	ssyncset.done $0x0  }
0x12b: {  	s17 =	rddreg [dreg:$0x9];
	[sflag:s11] =	ssyncadd.s32 $0xFFFF8000  }
0x12c: {  	[hbm4b:s17+s2] =	stream.linear.scatter [tilespmem:s8], [sflag:$0x5], $0x8000, $0x38;
	[tilespmem:$0x18080] =	vst v63  }
0x12d: {  	_ =	swait.ge [sflag:s5], $0x8000  }
0x12e: {  	[sflag:s5] =	ssyncset.done $0x0  }
0x12f: {  	s18 =	sadd.s32 s30, s13;
	[sflag:s5] =	ssyncadd.s32 $0xFFFF8000  }
0x130: {  	[tilespmem:s8], [sflag:$0x2] =	stream.linear.gather [hbm4b:s18+s2], $0x8000, $0x38;
	[tilespmem:$0x18080] =	vst v63  }
0x131: {  	_ =	swait.ge [sflag:s9], $0x8000  }
0x132: {  	[sflag:s9] =	ssyncset.done $0x0  }
0x133: {  	s19 =	rddreg [dreg:$0xa];
	[sflag:s9] =	ssyncadd.s32 $0xFFFF8000  }
0x134: {  	[hbm4b:s19+s2] =	stream.linear.scatter [tilespmem:s7], [sflag:$0x6], $0x8000, $0x38;
	[tilespmem:$0x18080] =	vst v63  }
0x135: {  	s20 =	sadd.s32 $0x10000, s15;
	_ =	swait.ge [sflag:s4], $0x8000  }
0x136: {  	s13 =	sshrl.u32 s20, $0x3;
	[sflag:s4] =	ssyncset.done $0x0  }
0x137: {  	s13 =	sadd.s32 s3, s13;
	[sflag:s4] =	ssyncadd.s32 $0xFFFF8000  }
0x138: {  	[tilespmem:s7], [sflag:$0x3] =	stream.linear.gather [hbm4b:s13+s2], $0x8000, $0x38;
	[tilespmem:$0x18080] =	vst v63  }
0x139: {  	_ =	swait.ge [sflag:s12], $0x8000  }
0x13a: {  	[sflag:s12] =	ssyncset.done $0x0  }
0x13b: {  	s21 =	rddreg [dreg:$0xb];
	[sflag:s12] =	ssyncadd.s32 $0xFFFF8000  }
0x13c: {  	[hbm4b:s21+s2] =	stream.linear.scatter [tilespmem:s10], [sflag:$0x4], $0x8000, $0x38;
	[tilespmem:$0x18080] =	vst v63  }
0x13d: {  	s22 =	sadd.s32 $0x18000, s15;
	_ =	swait.ge [sflag:s6], $0x8000  }
0x13e: {  	s13 =	sshrl.u32 s22, $0x3;
	[sflag:s6] =	ssyncset.done $0x0  }
0x13f: {  	s13 =	sadd.s32 s3, s13;
	[sflag:s6] =	ssyncadd.s32 $0xFFFF8000  }
0x140: {  	[tilespmem:s10], [sflag:$0x1] =	stream.linear.gather [hbm4b:s13+s2], $0x8000, $0x38;
	[tilespmem:$0x18080] =	vst v63  }
0x141: {  	_ =	swait.ge [sflag:s11], $0x8000  }
0x142: {  	[sflag:s11] =	ssyncset.done $0x0  }
0x143: {  	s23 =	rddreg [dreg:$0xc];
	[sflag:s11] =	ssyncadd.s32 $0xFFFF8000  }
0x144: {  	[hbm4b:s23+s2] =	stream.linear.scatter [tilespmem:s8], [sflag:$0x5], $0x8000, $0x38;
	[tilespmem:$0x18080] =	vst v63  }
0x145: {  	s24 =	sadd.s32 $0x20000, s15;
	_ =	swait.ge [sflag:s5], $0x8000  }
0x146: {  	s13 =	sshrl.u32 s24, $0x3;
	[sflag:s5] =	ssyncset.done $0x0  }
0x147: {  	s13 =	sadd.s32 s3, s13;
	[sflag:s5] =	ssyncadd.s32 $0xFFFF8000  }
0x148: {  	[tilespmem:s8], [sflag:$0x2] =	stream.linear.gather [hbm4b:s13+s2], $0x8000, $0x38;
	[tilespmem:$0x18080] =	vst v63  }
0x149: {  	_ =	swait.ge [sflag:s9], $0x8000  }
0x14a: {  	[sflag:s9] =	ssyncset.done $0x0  }
0x14b: {  	s25 =	rddreg [dreg:$0xd];
	[sflag:s9] =	ssyncadd.s32 $0xFFFF8000  }
0x14c: {  	[hbm4b:s25+s2] =	stream.linear.scatter [tilespmem:s7], [sflag:$0x6], $0x8000, $0x38;
	[tilespmem:$0x18080] =	vst v63  }
0x14d: {  	s26 =	sadd.s32 $0x28000, s15;
	_ =	swait.ge [sflag:s4], $0x8000  }
0x14e: {  	s13 =	sshrl.u32 s26, $0x3;
	[sflag:s4] =	ssyncset.done $0x0  }
0x14f: {  	s28 =	sadd.s32 s3, s13;
	[sflag:s4] =	ssyncadd.s32 $0xFFFF8000  }
0x150: {  	[tilespmem:s7], [sflag:$0x3] =	stream.linear.gather [hbm4b:s28+s2], $0x8000, $0x38;
	[tilespmem:$0x18080] =	vst v63  }
0x151: {  	_ =	swait.ge [sflag:s12], $0x8000  }
0x152: {  	[sflag:s12] =	ssyncset.done $0x0  }
0x153: {  	s29 =	rddreg [dreg:$0xe];
	[sflag:s12] =	ssyncadd.s32 $0xFFFF8000  }
0x154: {  	[hbm4b:s29+s2] =	stream.linear.scatter [tilespmem:s10], [sflag:$0x4], $0x8000, $0x38;
	[tilespmem:$0x18080] =	vst v63  }
0x155: {  	_ =	swait.ge [sflag:s11], $0x8000  }
0x156: {  	[sflag:s11] =	ssyncset.done $0x0  }
0x157: {  	s30 =	rddreg [dreg:$0xf];
	[sflag:s11] =	ssyncadd.s32 $0xFFFF8000  }
0x158: {  	[hbm4b:s30+s2] =	stream.linear.scatter [tilespmem:s8], [sflag:$0x5], $0x8000, $0x38;
	[tilespmem:$0x18080] =	vst v63  }
0x159: {  	_ =	swait.ge [sflag:s9], $0x8000  }
0x15a: {  	[sflag:s9] =	ssyncset.done $0x0  }
0x15b: {  	s31 =	rddreg [dreg:$0x10];
	[sflag:s9] =	ssyncadd.s32 $0xFFFF8000  }
0x15c: {  	[hbm4b:s31+s2] =	stream.linear.scatter [tilespmem:s7], [sflag:$0x6], $0x8000, $0x38;
	[tilespmem:$0x18080] =	vst v63  }
0x15d: {  	_ =	swait.ge [sflag:s6], $0x8000  }
0x15e: {  	[sflag:s6] =	ssyncset.done $0x0  }
0x15f: {  	[sflag:s6] =	ssyncadd.s32 $0xFFFF8000  }
0x160: {  	_ =	swait.ge [sflag:s5], $0x8000  }
0x161: {  	[sflag:s5] =	ssyncset.done $0x0  }
0x162: {  	[sflag:s5] =	ssyncadd.s32 $0xFFFF8000  }
0x163: {  	_ =	swait.ge [sflag:s4], $0x8000  }
0x164: {  	[sflag:s4] =	ssyncset.done $0x0  }
0x165: {  	[sflag:s4] =	ssyncadd.s32 $0xFFFF8000  }
0x166: {  	_ =	sfence.sel $0x180000  }
0x167: {  	[bflag:$0x0] =	sbarrier.arrive $0xFFFF  }
0x168: {  	p0 =	sne.s32 s0, $0x0;
	_ =	strace $0x90000047  }
0x169: {  	s0 =	sadd.s32 @!p0 $0x100000, s1;
	[bflag:$0x2] =	sbarrier.arrive $0xFFFF  }
0x16a: {  	[sflag:s0] =	ssyncadd.tile.s32 @!p0 $0x1;
	_ =	shalt  }
.Lfunc_end2:
_tile_overlayer_lowered:
.L_overlay_start_2:
0x16b: {  	(tag) =	ssettag $0x2  }
0x16c: {  	s0 =	rddreg [dreg:$0x0];
	s2 =	stileid.u32  }
0x16d: {  	s1 =	rddreg [dreg:$0x1];
	p0 =	sne.s32 s2, $0x0  }
0x16e: {  	s3 =	rddreg [dreg:$0x2];
	[bflag:$0x3] =	sbarrier.arrive $0xFFFF;
	s2 =	simm.s32 @!p0 $0x1C07  }
0x16f: {  	[timem:s3], [sflag:s2] =	dma.local @!p0 [hbm:s0], s1  }
0x170: {  	s0 =	simm.s32 @!p0 $0x7  }
0x171: {  	_ =	swait.ge @!p0 [sflag:s0], s1  }
0x172: {  	s1 =	ssub.s32 @!p0 $0x0, s1;
	[sflag:s0] =	ssyncset.done @!p0 $0x0  }
0x173: {  	[sflag:s0] =	ssyncadd.s32 @!p0 s1  }
0x174: {  	[bflag:$0x3] =	sbarrier.arrive $0xFFFF  }
0x175: {  	_ =	shalt  }

</sc_bundles>
